<compile_context>
chip_gen: v7x
topology: tpu7x:2x2x1
jax: 0.10.2.dev20260603
libtpu: 0.0.44.dev20260713+nightly
codegen_flags: <defaults>
</compile_context>

<pallas_src>
import jax
import jax.numpy as jnp
from jax import lax
from jax.experimental import pallas as pl
from jax.experimental.pallas import tpu as pltpu
from jax.experimental.pallas import tpu_sc as plsc
from jax._src.pallas import mpmd
from jax._src.pallas import core as _pallas_core
from jax._src.pallas.mosaic import core as _tpu_core

_T = 8192
_D = 768

_TEC_ROWS = 4096
_NW = 32
_V_RPW = _TEC_ROWS // _NW
_V_CH = 16
_V_NCH = _V_RPW // _V_CH
_V_NBUF = 8
_V_LAG = 4

_SCS_ROWS = _T - _TEC_ROWS
_NC = 2
_S_RPC = _SCS_ROWS // _NC
_S_CH = 256
_S_NCH = _S_RPC // _S_CH
_S_NBUF = 2
_S_LAG = 1


def _ring_copy(src_hbm, dst_hbm, buf, rsems, wsems, base, ch, nch, nbuf, lag):

    def rd(i, slot):
        return pltpu.make_async_copy(
            src_hbm.at[pl.ds(base + i * ch, ch)], buf.at[slot], rsems.at[slot])

    def wr(i, slot):
        return pltpu.make_async_copy(
            buf.at[slot], dst_hbm.at[pl.ds(base + i * ch, ch)], wsems.at[slot])

    for j in range(min(nbuf - lag, nch)):
        rd(j, j).start()

    def step(i, carry):
        @pl.when(i >= lag)
        def _():
            wr(i - lag, lax.rem(i - lag, nbuf)).wait()

        nxt = i + nbuf - lag

        @pl.when(nxt < nch)
        def _():
            rd(nxt, lax.rem(nxt, nbuf)).start()

        slot = lax.rem(i, nbuf)
        rd(i, slot).wait()
        wr(i, slot).start()
        return carry

    lax.fori_loop(0, nch, step, 0, unroll=False)

    def drain(i, carry):
        wr(i, lax.rem(i, nbuf)).wait()
        return carry

    lax.fori_loop(max(0, nch - lag), nch, drain, 0, unroll=False)


def _make_sc_copy():
    scalar_mesh = plsc.ScalarSubcoreMesh(axis_name="c", num_cores=_NC)
    vector_mesh = plsc.VectorSubcoreMesh(
        core_axis_name="c", subcore_axis_name="s")

    def scs_fn(wpe_hbm, out_hbm, vbuf, vrsems, vwsems, sbuf, srsems, swsems):
        del vbuf, vrsems, vwsems
        cid = lax.axis_index("c")
        base = _TEC_ROWS + cid * _S_RPC
        _ring_copy(wpe_hbm, out_hbm, sbuf, srsems, swsems,
                   base, _S_CH, _S_NCH, _S_NBUF, _S_LAG)

    def tec_fn(wpe_hbm, out_hbm, vbuf, vrsems, vwsems, sbuf, srsems, swsems):
        del sbuf, srsems, swsems
        wid = lax.axis_index("s") * 2 + lax.axis_index("c")
        base = wid * _V_RPW
        _ring_copy(wpe_hbm, out_hbm, vbuf, vrsems, vwsems,
                   base, _V_CH, _V_NCH, _V_NBUF, _V_LAG)

    return mpmd.mpmd_map(
        [(scalar_mesh, scs_fn), (vector_mesh, tec_fn)],
        out_types=jax.ShapeDtypeStruct((_T, _D), jnp.float32),
        scratch_types=[
            _pallas_core.CoreMemorySpace(_tpu_core.MemorySpace.VMEM, vector_mesh)(
                (_V_NBUF, _V_CH, _D), jnp.float32),
            _pallas_core.CoreMemorySpace(
                _tpu_core.MemorySpace.SEMAPHORE, vector_mesh)(
                (_V_NBUF,), _tpu_core.SemaphoreType.DMA.dtype),
            _pallas_core.CoreMemorySpace(
                _tpu_core.MemorySpace.SEMAPHORE, vector_mesh)(
                (_V_NBUF,), _tpu_core.SemaphoreType.DMA.dtype),
            pltpu.MemorySpace.VMEM_SHARED((_S_NBUF, _S_CH, _D), jnp.float32),
            _pallas_core.CoreMemorySpace(
                _tpu_core.MemorySpace.SEMAPHORE, scalar_mesh)(
                (_S_NBUF,), _tpu_core.SemaphoreType.DMA.dtype),
            _pallas_core.CoreMemorySpace(
                _tpu_core.MemorySpace.SEMAPHORE, scalar_mesh)(
                (_S_NBUF,), _tpu_core.SemaphoreType.DMA.dtype),
        ],
    )


_sc_copy = _make_sc_copy()


def kernel(idx, wpe):
    del idx
    return _sc_copy(wpe)

# --- scband reference (transcript-rebuilt; emitter-appended) ---
"""Pipeline reference for scband-learned-position-encoding-36404142801329 (READ-ONLY COPY).

The authoritative reference and input builder live on the scoring server;
editing this copy changes nothing except your own understanding.
"""

import jax, jax.numpy as jnp
import numpy as np

BLOCK_SIZE = 8192
N_EMBD = 768
B = 4
T = 8192
VOCAB = 50257

def setup_inputs(seed: int = 0) -> dict:
    key = jax.random.key(seed)
    k_idx, k_wpe = jax.random.split(key)
    idx = jax.random.randint(k_idx, (B, T), 0, VOCAB, dtype=jnp.int64 if jax.config.jax_enable_x64 else jnp.int32)
    wpe = jax.random.normal(k_wpe, (BLOCK_SIZE, N_EMBD), dtype=jnp.float32) * 0.02
    return {"idx": idx, "wpe": wpe}

def reference(idx, wpe):
    # Faithful translation: T = idx.size(1); pos = arange(T); pos_emb = wpe(pos)
    T_ = idx.shape[1]
    pos = jnp.arange(0, T_, dtype=jnp.int32)
    pos_emb = jnp.take(wpe, pos, axis=0)
    return pos_emb

if __name__ == "__main__":
    import jax
    _d = setup_inputs()
    print(jax.jit(kernel)(*tuple(_d.values())))

</pallas_src>

<mosaic_0001>
#map = affine_map<(d0) -> (0, 0)>
#map1 = affine_map<(d0, d1) -> (0, 0)>
module attributes {stable_mosaic.version = 14 : i64} {
  func.func @scs_fn(%arg0: i32, %arg1: memref<8192x768xf32, #tpu.memory_space<hbm>>, %arg2: memref<8192x768xf32, #tpu.memory_space<hbm>>, %arg3: memref<8x16x768xf32, #tpu.memory_space<vmem, sc_vector_subcore>>, %arg4: memref<8x!tpu.dma_semaphore, #tpu.memory_space<semaphore_mem, sc_vector_subcore>>, %arg5: memref<8x!tpu.dma_semaphore, #tpu.memory_space<semaphore_mem, sc_vector_subcore>>, %arg6: memref<2x256x768xf32, #tpu.memory_space<vmem_shared>>, %arg7: memref<2x!tpu.dma_semaphore, #tpu.memory_space<semaphore_mem>>, %arg8: memref<2x!tpu.dma_semaphore, #tpu.memory_space<semaphore_mem>>) attributes {dimension_semantics = [#tpu.dimension_semantics<core_parallel>], iteration_bounds = array<i64: 2>, scalar_prefetch = 0 : i64, scratch_operands = 6 : i64, tpu.core_type = #tpu.core_type<sc_scalar_subcore>, window_params = [{transform_indices = #map}, {transform_indices = #map}]} {
    %mul3A = arith.constant 2048 : i32
    %mul3A_0 = arith.muli %arg0, %mul3A : i32
    %add3A = arith.constant 4096 : i32
    %add3A_1 = arith.addi %add3A, %mul3A_0 : i32
    %add3A_2 = arith.constant 0 : i32
    %add3A_3 = arith.addi %add3A_1, %add3A_2 : i32
    %dma_start3A = arith.constant 0 : i32
    %dma_start3A_4 = arith.constant 0 : i32
    %dma_start3A_5 = tpu.memref_slice %arg7[%dma_start3A_4] : memref<2x!tpu.dma_semaphore, #tpu.memory_space<semaphore_mem>> -> memref<1x!tpu.dma_semaphore, #tpu.memory_space<semaphore_mem>>
    %dma_start3A_6 = tpu.memref_squeeze %dma_start3A_5 : memref<1x!tpu.dma_semaphore, #tpu.memory_space<semaphore_mem>> -> memref<!tpu.dma_semaphore, #tpu.memory_space<semaphore_mem>>
    %dma_start3A_7 = arith.constant 0 : i32
    %dma_start3A_8 = arith.constant 0 : i32
    %dma_start3A_9 = tpu.memref_slice %arg6[%dma_start3A, %dma_start3A_7, %dma_start3A_8] : memref<2x256x768xf32, #tpu.memory_space<vmem_shared>> -> memref<1x256x768xf32, #tpu.memory_space<vmem_shared>>
    %dma_start3A_10 = tpu.memref_squeeze %dma_start3A_9 : memref<1x256x768xf32, #tpu.memory_space<vmem_shared>> -> memref<256x768xf32, #tpu.memory_space<vmem_shared>>
    %dma_start3A_11 = arith.constant 0 : i32
    %dma_start3A_12 = tpu.memref_slice %arg1[%add3A_3, %dma_start3A_11] : memref<8192x768xf32, #tpu.memory_space<hbm>> -> memref<256x768xf32, #tpu.memory_space<hbm>>
    tpu.enqueue_dma source(%dma_start3A_12 : memref<256x768xf32, #tpu.memory_space<hbm>>) target(%dma_start3A_10 : memref<256x768xf32, #tpu.memory_space<vmem_shared>>) target_semaphore(%dma_start3A_6 : memref<!tpu.dma_semaphore, #tpu.memory_space<semaphore_mem>>)
    %scan3A = arith.constant 0 : i32
    %scan3A_13 = arith.constant 0 : i32
    %scan3A_14 = arith.constant 8 : i32
    %scan3A_15 = arith.addi %scan3A_13, %scan3A_14 : i32
    %scan3A_16 = arith.constant 1 : i32
    scf.for %scan3A_32 = %scan3A_13 to %scan3A_15 step %scan3A_16  : i32 {
      %ge3A = arith.constant 1 : i32
      %ge3A_33 = arith.cmpi sge, %scan3A_32, %ge3A : i32
      %convert_element_type3A = arith.extui %ge3A_33 : i1 to i32
      %cond3A = arith.constant 0 : i32
      %cond3A_34 = arith.cmpi ne, %convert_element_type3A, %cond3A : i32
      scf.if %cond3A_34 {
        %sub3A_66 = arith.constant 1 : i32
        %sub3A_67 = arith.subi %scan3A_32, %sub3A_66 : i32
        %sub3A_68 = arith.constant 1 : i32
        %sub3A_69 = arith.subi %scan3A_32, %sub3A_68 : i32
        %rem3A_70 = arith.constant 2 : i32
        %rem3A_71 = arith.remsi %sub3A_69, %rem3A_70 : i32
        %mul3A_72 = arith.constant 256 : i32
        %mul3A_73 = arith.muli %sub3A_67, %mul3A_72 : i32
        %add3A_74 = arith.addi %add3A_1, %mul3A_73 : i32
        %dma_wait3A_75 = tpu.memref_slice %arg8[%rem3A_71] : memref<2x!tpu.dma_semaphore, #tpu.memory_space<semaphore_mem>> -> memref<1x!tpu.dma_semaphore, #tpu.memory_space<semaphore_mem>>
        %dma_wait3A_76 = tpu.memref_squeeze %dma_wait3A_75 : memref<1x!tpu.dma_semaphore, #tpu.memory_space<semaphore_mem>> -> memref<!tpu.dma_semaphore, #tpu.memory_space<semaphore_mem>>
        %dma_wait3A_77 = arith.constant 0 : i32
        %dma_wait3A_78 = tpu.memref_slice %arg2[%add3A_74, %dma_wait3A_77] : memref<8192x768xf32, #tpu.memory_space<hbm>> -> memref<256x768xf32, #tpu.memory_space<hbm>>
        %dma_wait3A_79 = arith.constant 0 : i32
        %dma_wait3A_80 = arith.constant 0 : i32
        %dma_wait3A_81 = tpu.memref_slice %arg6[%rem3A_71, %dma_wait3A_79, %dma_wait3A_80] : memref<2x256x768xf32, #tpu.memory_space<vmem_shared>> -> memref<1x256x768xf32, #tpu.memory_space<vmem_shared>>
        %dma_wait3A_82 = tpu.memref_squeeze %dma_wait3A_81 : memref<1x256x768xf32, #tpu.memory_space<vmem_shared>> -> memref<256x768xf32, #tpu.memory_space<vmem_shared>>
        tpu.wait_dma2 semaphore(%dma_wait3A_76 : memref<!tpu.dma_semaphore, #tpu.memory_space<semaphore_mem>>) src(%dma_wait3A_82 : memref<256x768xf32, #tpu.memory_space<vmem_shared>>) dst(%dma_wait3A_78 : memref<256x768xf32, #tpu.memory_space<hbm>>)
      } else {
      }
      %add3A_35 = arith.constant 2 : i32
      %add3A_36 = arith.addi %scan3A_32, %add3A_35 : i32
      %sub3A = arith.constant 1 : i32
      %sub3A_37 = arith.subi %add3A_36, %sub3A : i32
      %lt3A = arith.constant 8 : i32
      %lt3A_38 = arith.cmpi slt, %sub3A_37, %lt3A : i32
      %convert_element_type3A_39 = arith.extui %lt3A_38 : i1 to i32
      %cond3A_40 = arith.constant 0 : i32
      %cond3A_41 = arith.cmpi ne, %convert_element_type3A_39, %cond3A_40 : i32
      scf.if %cond3A_41 {
        %rem3A_66 = arith.constant 2 : i32
        %rem3A_67 = arith.remsi %sub3A_37, %rem3A_66 : i32
        %mul3A_68 = arith.constant 256 : i32
        %mul3A_69 = arith.muli %sub3A_37, %mul3A_68 : i32
        %add3A_70 = arith.addi %add3A_1, %mul3A_69 : i32
        %dma_start3A_71 = tpu.memref_slice %arg7[%rem3A_67] : memref<2x!tpu.dma_semaphore, #tpu.memory_space<semaphore_mem>> -> memref<1x!tpu.dma_semaphore, #tpu.memory_space<semaphore_mem>>
        %dma_start3A_72 = tpu.memref_squeeze %dma_start3A_71 : memref<1x!tpu.dma_semaphore, #tpu.memory_space<semaphore_mem>> -> memref<!tpu.dma_semaphore, #tpu.memory_space<semaphore_mem>>
        %dma_start3A_73 = arith.constant 0 : i32
        %dma_start3A_74 = arith.constant 0 : i32
        %dma_start3A_75 = tpu.memref_slice %arg6[%rem3A_67, %dma_start3A_73, %dma_start3A_74] : memref<2x256x768xf32, #tpu.memory_space<vmem_shared>> -> memref<1x256x768xf32, #tpu.memory_space<vmem_shared>>
        %dma_start3A_76 = tpu.memref_squeeze %dma_start3A_75 : memref<1x256x768xf32, #tpu.memory_space<vmem_shared>> -> memref<256x768xf32, #tpu.memory_space<vmem_shared>>
        %dma_start3A_77 = arith.constant 0 : i32
        %dma_start3A_78 = tpu.memref_slice %arg1[%add3A_70, %dma_start3A_77] : memref<8192x768xf32, #tpu.memory_space<hbm>> -> memref<256x768xf32, #tpu.memory_space<hbm>>
        tpu.enqueue_dma source(%dma_start3A_78 : memref<256x768xf32, #tpu.memory_space<hbm>>) target(%dma_start3A_76 : memref<256x768xf32, #tpu.memory_space<vmem_shared>>) target_semaphore(%dma_start3A_72 : memref<!tpu.dma_semaphore, #tpu.memory_space<semaphore_mem>>)
      } else {
      }
      %rem3A_42 = arith.constant 2 : i32
      %rem3A_43 = arith.remsi %scan3A_32, %rem3A_42 : i32
      %mul3A_44 = arith.constant 256 : i32
      %mul3A_45 = arith.muli %scan3A_32, %mul3A_44 : i32
      %add3A_46 = arith.addi %add3A_1, %mul3A_45 : i32
      %dma_wait3A_47 = tpu.memref_slice %arg7[%rem3A_43] : memref<2x!tpu.dma_semaphore, #tpu.memory_space<semaphore_mem>> -> memref<1x!tpu.dma_semaphore, #tpu.memory_space<semaphore_mem>>
      %dma_wait3A_48 = tpu.memref_squeeze %dma_wait3A_47 : memref<1x!tpu.dma_semaphore, #tpu.memory_space<semaphore_mem>> -> memref<!tpu.dma_semaphore, #tpu.memory_space<semaphore_mem>>
      %dma_wait3A_49 = arith.constant 0 : i32
      %dma_wait3A_50 = arith.constant 0 : i32
      %dma_wait3A_51 = tpu.memref_slice %arg6[%rem3A_43, %dma_wait3A_49, %dma_wait3A_50] : memref<2x256x768xf32, #tpu.memory_space<vmem_shared>> -> memref<1x256x768xf32, #tpu.memory_space<vmem_shared>>
      %dma_wait3A_52 = tpu.memref_squeeze %dma_wait3A_51 : memref<1x256x768xf32, #tpu.memory_space<vmem_shared>> -> memref<256x768xf32, #tpu.memory_space<vmem_shared>>
      %dma_wait3A_53 = arith.constant 0 : i32
      %dma_wait3A_54 = tpu.memref_slice %arg1[%add3A_46, %dma_wait3A_53] : memref<8192x768xf32, #tpu.memory_space<hbm>> -> memref<256x768xf32, #tpu.memory_space<hbm>>
      tpu.wait_dma2 semaphore(%dma_wait3A_48 : memref<!tpu.dma_semaphore, #tpu.memory_space<semaphore_mem>>) src(%dma_wait3A_54 : memref<256x768xf32, #tpu.memory_space<hbm>>) dst(%dma_wait3A_52 : memref<256x768xf32, #tpu.memory_space<vmem_shared>>)
      %mul3A_55 = arith.constant 256 : i32
      %mul3A_56 = arith.muli %scan3A_32, %mul3A_55 : i32
      %add3A_57 = arith.addi %add3A_1, %mul3A_56 : i32
      %dma_start3A_58 = tpu.memref_slice %arg8[%rem3A_43] : memref<2x!tpu.dma_semaphore, #tpu.memory_space<semaphore_mem>> -> memref<1x!tpu.dma_semaphore, #tpu.memory_space<semaphore_mem>>
      %dma_start3A_59 = tpu.memref_squeeze %dma_start3A_58 : memref<1x!tpu.dma_semaphore, #tpu.memory_space<semaphore_mem>> -> memref<!tpu.dma_semaphore, #tpu.memory_space<semaphore_mem>>
      %dma_start3A_60 = arith.constant 0 : i32
      %dma_start3A_61 = tpu.memref_slice %arg2[%add3A_57, %dma_start3A_60] : memref<8192x768xf32, #tpu.memory_space<hbm>> -> memref<256x768xf32, #tpu.memory_space<hbm>>
      %dma_start3A_62 = arith.constant 0 : i32
      %dma_start3A_63 = arith.constant 0 : i32
      %dma_start3A_64 = tpu.memref_slice %arg6[%rem3A_43, %dma_start3A_62, %dma_start3A_63] : memref<2x256x768xf32, #tpu.memory_space<vmem_shared>> -> memref<1x256x768xf32, #tpu.memory_space<vmem_shared>>
      %dma_start3A_65 = tpu.memref_squeeze %dma_start3A_64 : memref<1x256x768xf32, #tpu.memory_space<vmem_shared>> -> memref<256x768xf32, #tpu.memory_space<vmem_shared>>
      tpu.enqueue_dma source(%dma_start3A_65 : memref<256x768xf32, #tpu.memory_space<vmem_shared>>) target(%dma_start3A_61 : memref<256x768xf32, #tpu.memory_space<hbm>>) target_semaphore(%dma_start3A_59 : memref<!tpu.dma_semaphore, #tpu.memory_space<semaphore_mem>>)
    }
    %scan3A_17 = arith.constant 8 : i32
    %scan3A_18 = arith.constant 0 : i32
    %scan3A_19 = arith.constant 7 : i32
    %rem3A = arith.constant 2 : i32
    %rem3A_20 = arith.remsi %scan3A_19, %rem3A : i32
    %mul3A_21 = arith.constant 256 : i32
    %mul3A_22 = arith.muli %scan3A_19, %mul3A_21 : i32
    %add3A_23 = arith.addi %add3A_1, %mul3A_22 : i32
    %dma_wait3A = tpu.memref_slice %arg8[%rem3A_20] : memref<2x!tpu.dma_semaphore, #tpu.memory_space<semaphore_mem>> -> memref<1x!tpu.dma_semaphore, #tpu.memory_space<semaphore_mem>>
    %dma_wait3A_24 = tpu.memref_squeeze %dma_wait3A : memref<1x!tpu.dma_semaphore, #tpu.memory_space<semaphore_mem>> -> memref<!tpu.dma_semaphore, #tpu.memory_space<semaphore_mem>>
    %dma_wait3A_25 = arith.constant 0 : i32
    %dma_wait3A_26 = tpu.memref_slice %arg2[%add3A_23, %dma_wait3A_25] : memref<8192x768xf32, #tpu.memory_space<hbm>> -> memref<256x768xf32, #tpu.memory_space<hbm>>
    %dma_wait3A_27 = arith.constant 0 : i32
    %dma_wait3A_28 = arith.constant 0 : i32
    %dma_wait3A_29 = tpu.memref_slice %arg6[%rem3A_20, %dma_wait3A_27, %dma_wait3A_28] : memref<2x256x768xf32, #tpu.memory_space<vmem_shared>> -> memref<1x256x768xf32, #tpu.memory_space<vmem_shared>>
    %dma_wait3A_30 = tpu.memref_squeeze %dma_wait3A_29 : memref<1x256x768xf32, #tpu.memory_space<vmem_shared>> -> memref<256x768xf32, #tpu.memory_space<vmem_shared>>
    tpu.wait_dma2 semaphore(%dma_wait3A_24 : memref<!tpu.dma_semaphore, #tpu.memory_space<semaphore_mem>>) src(%dma_wait3A_30 : memref<256x768xf32, #tpu.memory_space<vmem_shared>>) dst(%dma_wait3A_26 : memref<256x768xf32, #tpu.memory_space<hbm>>)
    %scan3A_31 = arith.constant 1 : i32
    return
  }
  func.func @tec_fn(%arg0: i32, %arg1: i32, %arg2: memref<8192x768xf32, #tpu.memory_space<hbm>>, %arg3: memref<8192x768xf32, #tpu.memory_space<hbm>>, %arg4: memref<8x16x768xf32, #tpu.memory_space<vmem>>, %arg5: memref<8x!tpu.dma_semaphore, #tpu.memory_space<semaphore_mem>>, %arg6: memref<8x!tpu.dma_semaphore, #tpu.memory_space<semaphore_mem>>, %arg7: memref<2x256x768xf32, #tpu.memory_space<vmem_shared>>, %arg8: memref<2x!tpu.dma_semaphore, #tpu.memory_space<semaphore_mem, sc_scalar_subcore>>, %arg9: memref<2x!tpu.dma_semaphore, #tpu.memory_space<semaphore_mem, sc_scalar_subcore>>) attributes {dimension_semantics = [#tpu.dimension_semantics<core_parallel>, #tpu.dimension_semantics<subcore_parallel>], iteration_bounds = array<i64: 2, 16>, scalar_prefetch = 0 : i64, scratch_operands = 6 : i64, tpu.core_type = #tpu.core_type<sc_vector_subcore>, window_params = [{transform_indices = #map1}, {transform_indices = #map1}]} {
    %mul3A = arith.constant 2 : i32
    %mul3A_0 = arith.muli %arg1, %mul3A : i32
    %add3A = arith.addi %mul3A_0, %arg0 : i32
    %mul3A_1 = arith.constant 128 : i32
    %mul3A_2 = arith.muli %add3A, %mul3A_1 : i32
    %add3A_3 = arith.constant 0 : i32
    %add3A_4 = arith.addi %mul3A_2, %add3A_3 : i32
    %dma_start3A = arith.constant 0 : i32
    %dma_start3A_5 = arith.constant 0 : i32
    %dma_start3A_6 = arith.constant 0 : i32
    %dma_start3A_7 = arith.constant 0 : i32
    %dma_start3A_8 = tpu.memref_slice %arg4[%dma_start3A, %dma_start3A_6, %dma_start3A_7] : memref<8x16x768xf32, #tpu.memory_space<vmem>> -> memref<1x16x768xf32, #tpu.memory_space<vmem>>
    %dma_start3A_9 = tpu.memref_squeeze %dma_start3A_8 : memref<1x16x768xf32, #tpu.memory_space<vmem>> -> memref<16x768xf32, #tpu.memory_space<vmem>>
    %dma_start3A_10 = arith.constant 0 : i32
    %dma_start3A_11 = tpu.memref_slice %arg2[%add3A_4, %dma_start3A_10] : memref<8192x768xf32, #tpu.memory_space<hbm>> -> memref<16x768xf32, #tpu.memory_space<hbm>>
    %dma_start3A_12 = tpu.memref_slice %arg5[%dma_start3A_5] : memref<8x!tpu.dma_semaphore, #tpu.memory_space<semaphore_mem>> -> memref<1x!tpu.dma_semaphore, #tpu.memory_space<semaphore_mem>>
    %dma_start3A_13 = tpu.memref_squeeze %dma_start3A_12 : memref<1x!tpu.dma_semaphore, #tpu.memory_space<semaphore_mem>> -> memref<!tpu.dma_semaphore, #tpu.memory_space<semaphore_mem>>
    %dma_start3A_14 = arith.constant 0 : i32
    %dma_start3A_15 = arith.constant 0 : i32
    %dma_start3A_16 = tpu.memref_slice %arg4[%dma_start3A, %dma_start3A_14, %dma_start3A_15] : memref<8x16x768xf32, #tpu.memory_space<vmem>> -> memref<1x16x768xf32, #tpu.memory_space<vmem>>
    %dma_start3A_17 = tpu.memref_squeeze %dma_start3A_16 : memref<1x16x768xf32, #tpu.memory_space<vmem>> -> memref<16x768xf32, #tpu.memory_space<vmem>>
    %dma_start3A_18 = arith.constant 0 : i32
    %dma_start3A_19 = tpu.memref_slice %arg2[%add3A_4, %dma_start3A_18] : memref<8192x768xf32, #tpu.memory_space<hbm>> -> memref<16x768xf32, #tpu.memory_space<hbm>>
    tpu.enqueue_dma source(%dma_start3A_19 : memref<16x768xf32, #tpu.memory_space<hbm>>) target(%dma_start3A_17 : memref<16x768xf32, #tpu.memory_space<vmem>>) target_semaphore(%dma_start3A_13 : memref<!tpu.dma_semaphore, #tpu.memory_space<semaphore_mem>>)
    %add3A_20 = arith.constant 16 : i32
    %add3A_21 = arith.addi %mul3A_2, %add3A_20 : i32
    %dma_start3A_22 = arith.constant 1 : i32
    %dma_start3A_23 = arith.constant 1 : i32
    %dma_start3A_24 = arith.constant 0 : i32
    %dma_start3A_25 = arith.constant 0 : i32
    %dma_start3A_26 = tpu.memref_slice %arg4[%dma_start3A_22, %dma_start3A_24, %dma_start3A_25] : memref<8x16x768xf32, #tpu.memory_space<vmem>> -> memref<1x16x768xf32, #tpu.memory_space<vmem>>
    %dma_start3A_27 = tpu.memref_squeeze %dma_start3A_26 : memref<1x16x768xf32, #tpu.memory_space<vmem>> -> memref<16x768xf32, #tpu.memory_space<vmem>>
    %dma_start3A_28 = arith.constant 0 : i32
    %dma_start3A_29 = tpu.memref_slice %arg2[%add3A_21, %dma_start3A_28] : memref<8192x768xf32, #tpu.memory_space<hbm>> -> memref<16x768xf32, #tpu.memory_space<hbm>>
    %dma_start3A_30 = tpu.memref_slice %arg5[%dma_start3A_23] : memref<8x!tpu.dma_semaphore, #tpu.memory_space<semaphore_mem>> -> memref<1x!tpu.dma_semaphore, #tpu.memory_space<semaphore_mem>>
    %dma_start3A_31 = tpu.memref_squeeze %dma_start3A_30 : memref<1x!tpu.dma_semaphore, #tpu.memory_space<semaphore_mem>> -> memref<!tpu.dma_semaphore, #tpu.memory_space<semaphore_mem>>
    %dma_start3A_32 = arith.constant 0 : i32
    %dma_start3A_33 = arith.constant 0 : i32
    %dma_start3A_34 = tpu.memref_slice %arg4[%dma_start3A_22, %dma_start3A_32, %dma_start3A_33] : memref<8x16x768xf32, #tpu.memory_space<vmem>> -> memref<1x16x768xf32, #tpu.memory_space<vmem>>
    %dma_start3A_35 = tpu.memref_squeeze %dma_start3A_34 : memref<1x16x768xf32, #tpu.memory_space<vmem>> -> memref<16x768xf32, #tpu.memory_space<vmem>>
    %dma_start3A_36 = arith.constant 0 : i32
    %dma_start3A_37 = tpu.memref_slice %arg2[%add3A_21, %dma_start3A_36] : memref<8192x768xf32, #tpu.memory_space<hbm>> -> memref<16x768xf32, #tpu.memory_space<hbm>>
    tpu.enqueue_dma source(%dma_start3A_37 : memref<16x768xf32, #tpu.memory_space<hbm>>) target(%dma_start3A_35 : memref<16x768xf32, #tpu.memory_space<vmem>>) target_semaphore(%dma_start3A_31 : memref<!tpu.dma_semaphore, #tpu.memory_space<semaphore_mem>>)
    %add3A_38 = arith.constant 32 : i32
    %add3A_39 = arith.addi %mul3A_2, %add3A_38 : i32
    %dma_start3A_40 = arith.constant 2 : i32
    %dma_start3A_41 = arith.constant 2 : i32
    %dma_start3A_42 = arith.constant 0 : i32
    %dma_start3A_43 = arith.constant 0 : i32
    %dma_start3A_44 = tpu.memref_slice %arg4[%dma_start3A_40, %dma_start3A_42, %dma_start3A_43] : memref<8x16x768xf32, #tpu.memory_space<vmem>> -> memref<1x16x768xf32, #tpu.memory_space<vmem>>
    %dma_start3A_45 = tpu.memref_squeeze %dma_start3A_44 : memref<1x16x768xf32, #tpu.memory_space<vmem>> -> memref<16x768xf32, #tpu.memory_space<vmem>>
    %dma_start3A_46 = arith.constant 0 : i32
    %dma_start3A_47 = tpu.memref_slice %arg2[%add3A_39, %dma_start3A_46] : memref<8192x768xf32, #tpu.memory_space<hbm>> -> memref<16x768xf32, #tpu.memory_space<hbm>>
    %dma_start3A_48 = tpu.memref_slice %arg5[%dma_start3A_41] : memref<8x!tpu.dma_semaphore, #tpu.memory_space<semaphore_mem>> -> memref<1x!tpu.dma_semaphore, #tpu.memory_space<semaphore_mem>>
    %dma_start3A_49 = tpu.memref_squeeze %dma_start3A_48 : memref<1x!tpu.dma_semaphore, #tpu.memory_space<semaphore_mem>> -> memref<!tpu.dma_semaphore, #tpu.memory_space<semaphore_mem>>
    %dma_start3A_50 = arith.constant 0 : i32
    %dma_start3A_51 = arith.constant 0 : i32
    %dma_start3A_52 = tpu.memref_slice %arg4[%dma_start3A_40, %dma_start3A_50, %dma_start3A_51] : memref<8x16x768xf32, #tpu.memory_space<vmem>> -> memref<1x16x768xf32, #tpu.memory_space<vmem>>
    %dma_start3A_53 = tpu.memref_squeeze %dma_start3A_52 : memref<1x16x768xf32, #tpu.memory_space<vmem>> -> memref<16x768xf32, #tpu.memory_space<vmem>>
    %dma_start3A_54 = arith.constant 0 : i32
    %dma_start3A_55 = tpu.memref_slice %arg2[%add3A_39, %dma_start3A_54] : memref<8192x768xf32, #tpu.memory_space<hbm>> -> memref<16x768xf32, #tpu.memory_space<hbm>>
    tpu.enqueue_dma source(%dma_start3A_55 : memref<16x768xf32, #tpu.memory_space<hbm>>) target(%dma_start3A_53 : memref<16x768xf32, #tpu.memory_space<vmem>>) target_semaphore(%dma_start3A_49 : memref<!tpu.dma_semaphore, #tpu.memory_space<semaphore_mem>>)
    %add3A_56 = arith.constant 48 : i32
    %add3A_57 = arith.addi %mul3A_2, %add3A_56 : i32
    %dma_start3A_58 = arith.constant 3 : i32
    %dma_start3A_59 = arith.constant 3 : i32
    %dma_start3A_60 = arith.constant 0 : i32
    %dma_start3A_61 = arith.constant 0 : i32
    %dma_start3A_62 = tpu.memref_slice %arg4[%dma_start3A_58, %dma_start3A_60, %dma_start3A_61] : memref<8x16x768xf32, #tpu.memory_space<vmem>> -> memref<1x16x768xf32, #tpu.memory_space<vmem>>
    %dma_start3A_63 = tpu.memref_squeeze %dma_start3A_62 : memref<1x16x768xf32, #tpu.memory_space<vmem>> -> memref<16x768xf32, #tpu.memory_space<vmem>>
    %dma_start3A_64 = arith.constant 0 : i32
    %dma_start3A_65 = tpu.memref_slice %arg2[%add3A_57, %dma_start3A_64] : memref<8192x768xf32, #tpu.memory_space<hbm>> -> memref<16x768xf32, #tpu.memory_space<hbm>>
    %dma_start3A_66 = tpu.memref_slice %arg5[%dma_start3A_59] : memref<8x!tpu.dma_semaphore, #tpu.memory_space<semaphore_mem>> -> memref<1x!tpu.dma_semaphore, #tpu.memory_space<semaphore_mem>>
    %dma_start3A_67 = tpu.memref_squeeze %dma_start3A_66 : memref<1x!tpu.dma_semaphore, #tpu.memory_space<semaphore_mem>> -> memref<!tpu.dma_semaphore, #tpu.memory_space<semaphore_mem>>
    %dma_start3A_68 = arith.constant 0 : i32
    %dma_start3A_69 = arith.constant 0 : i32
    %dma_start3A_70 = tpu.memref_slice %arg4[%dma_start3A_58, %dma_start3A_68, %dma_start3A_69] : memref<8x16x768xf32, #tpu.memory_space<vmem>> -> memref<1x16x768xf32, #tpu.memory_space<vmem>>
    %dma_start3A_71 = tpu.memref_squeeze %dma_start3A_70 : memref<1x16x768xf32, #tpu.memory_space<vmem>> -> memref<16x768xf32, #tpu.memory_space<vmem>>
    %dma_start3A_72 = arith.constant 0 : i32
    %dma_start3A_73 = tpu.memref_slice %arg2[%add3A_57, %dma_start3A_72] : memref<8192x768xf32, #tpu.memory_space<hbm>> -> memref<16x768xf32, #tpu.memory_space<hbm>>
    tpu.enqueue_dma source(%dma_start3A_73 : memref<16x768xf32, #tpu.memory_space<hbm>>) target(%dma_start3A_71 : memref<16x768xf32, #tpu.memory_space<vmem>>) target_semaphore(%dma_start3A_67 : memref<!tpu.dma_semaphore, #tpu.memory_space<semaphore_mem>>)
    %scan3A = arith.constant 0 : i32
    %scan3A_74 = arith.constant 0 : i32
    %scan3A_75 = arith.constant 8 : i32
    %scan3A_76 = arith.addi %scan3A_74, %scan3A_75 : i32
    %scan3A_77 = arith.constant 1 : i32
    scf.for %scan3A_85 = %scan3A_74 to %scan3A_76 step %scan3A_77  : i32 {
      %ge3A = arith.constant 4 : i32
      %ge3A_86 = arith.cmpi sge, %scan3A_85, %ge3A : i32
      %convert_element_type3A = arith.extui %ge3A_86 : i1 to i32
      %cond3A = arith.constant 0 : i32
      %cond3A_87 = arith.cmpi ne, %convert_element_type3A, %cond3A : i32
      scf.if %cond3A_87 {
        %sub3A_129 = arith.constant 4 : i32
        %sub3A_130 = arith.subi %scan3A_85, %sub3A_129 : i32
        %sub3A_131 = arith.constant 4 : i32
        %sub3A_132 = arith.subi %scan3A_85, %sub3A_131 : i32
        %rem3A_133 = arith.constant 8 : i32
        %rem3A_134 = arith.remsi %sub3A_132, %rem3A_133 : i32
        %mul3A_135 = arith.constant 16 : i32
        %mul3A_136 = arith.muli %sub3A_130, %mul3A_135 : i32
        %add3A_137 = arith.addi %mul3A_2, %mul3A_136 : i32
        %dma_wait3A_138 = arith.constant 0 : i32
        %dma_wait3A_139 = arith.constant 0 : i32
        %dma_wait3A_140 = tpu.memref_slice %arg4[%rem3A_134, %dma_wait3A_138, %dma_wait3A_139] : memref<8x16x768xf32, #tpu.memory_space<vmem>> -> memref<1x16x768xf32, #tpu.memory_space<vmem>>
        %dma_wait3A_141 = tpu.memref_squeeze %dma_wait3A_140 : memref<1x16x768xf32, #tpu.memory_space<vmem>> -> memref<16x768xf32, #tpu.memory_space<vmem>>
        %dma_wait3A_142 = arith.constant 0 : i32
        %dma_wait3A_143 = tpu.memref_slice %arg3[%add3A_137, %dma_wait3A_142] : memref<8192x768xf32, #tpu.memory_space<hbm>> -> memref<16x768xf32, #tpu.memory_space<hbm>>
        %dma_wait3A_144 = tpu.memref_slice %arg6[%rem3A_134] : memref<8x!tpu.dma_semaphore, #tpu.memory_space<semaphore_mem>> -> memref<1x!tpu.dma_semaphore, #tpu.memory_space<semaphore_mem>>
        %dma_wait3A_145 = tpu.memref_squeeze %dma_wait3A_144 : memref<1x!tpu.dma_semaphore, #tpu.memory_space<semaphore_mem>> -> memref<!tpu.dma_semaphore, #tpu.memory_space<semaphore_mem>>
        %dma_wait3A_146 = arith.constant 0 : i32
        %dma_wait3A_147 = tpu.memref_slice %arg3[%add3A_137, %dma_wait3A_146] : memref<8192x768xf32, #tpu.memory_space<hbm>> -> memref<16x768xf32, #tpu.memory_space<hbm>>
        %dma_wait3A_148 = arith.constant 0 : i32
        %dma_wait3A_149 = arith.constant 0 : i32
        %dma_wait3A_150 = tpu.memref_slice %arg4[%rem3A_134, %dma_wait3A_148, %dma_wait3A_149] : memref<8x16x768xf32, #tpu.memory_space<vmem>> -> memref<1x16x768xf32, #tpu.memory_space<vmem>>
        %dma_wait3A_151 = tpu.memref_squeeze %dma_wait3A_150 : memref<1x16x768xf32, #tpu.memory_space<vmem>> -> memref<16x768xf32, #tpu.memory_space<vmem>>
        tpu.wait_dma2 semaphore(%dma_wait3A_145 : memref<!tpu.dma_semaphore, #tpu.memory_space<semaphore_mem>>) src(%dma_wait3A_151 : memref<16x768xf32, #tpu.memory_space<vmem>>) dst(%dma_wait3A_147 : memref<16x768xf32, #tpu.memory_space<hbm>>)
      } else {
      }
      %add3A_88 = arith.constant 8 : i32
      %add3A_89 = arith.addi %scan3A_85, %add3A_88 : i32
      %sub3A = arith.constant 4 : i32
      %sub3A_90 = arith.subi %add3A_89, %sub3A : i32
      %lt3A = arith.constant 8 : i32
      %lt3A_91 = arith.cmpi slt, %sub3A_90, %lt3A : i32
      %convert_element_type3A_92 = arith.extui %lt3A_91 : i1 to i32
      %cond3A_93 = arith.constant 0 : i32
      %cond3A_94 = arith.cmpi ne, %convert_element_type3A_92, %cond3A_93 : i32
      scf.if %cond3A_94 {
        %rem3A_129 = arith.constant 8 : i32
        %rem3A_130 = arith.remsi %sub3A_90, %rem3A_129 : i32
        %mul3A_131 = arith.constant 16 : i32
        %mul3A_132 = arith.muli %sub3A_90, %mul3A_131 : i32
        %add3A_133 = arith.addi %mul3A_2, %mul3A_132 : i32
        %dma_start3A_134 = arith.constant 0 : i32
        %dma_start3A_135 = arith.constant 0 : i32
        %dma_start3A_136 = tpu.memref_slice %arg4[%rem3A_130, %dma_start3A_134, %dma_start3A_135] : memref<8x16x768xf32, #tpu.memory_space<vmem>> -> memref<1x16x768xf32, #tpu.memory_space<vmem>>
        %dma_start3A_137 = tpu.memref_squeeze %dma_start3A_136 : memref<1x16x768xf32, #tpu.memory_space<vmem>> -> memref<16x768xf32, #tpu.memory_space<vmem>>
        %dma_start3A_138 = arith.constant 0 : i32
        %dma_start3A_139 = tpu.memref_slice %arg2[%add3A_133, %dma_start3A_138] : memref<8192x768xf32, #tpu.memory_space<hbm>> -> memref<16x768xf32, #tpu.memory_space<hbm>>
        %dma_start3A_140 = tpu.memref_slice %arg5[%rem3A_130] : memref<8x!tpu.dma_semaphore, #tpu.memory_space<semaphore_mem>> -> memref<1x!tpu.dma_semaphore, #tpu.memory_space<semaphore_mem>>
        %dma_start3A_141 = tpu.memref_squeeze %dma_start3A_140 : memref<1x!tpu.dma_semaphore, #tpu.memory_space<semaphore_mem>> -> memref<!tpu.dma_semaphore, #tpu.memory_space<semaphore_mem>>
        %dma_start3A_142 = arith.constant 0 : i32
        %dma_start3A_143 = arith.constant 0 : i32
        %dma_start3A_144 = tpu.memref_slice %arg4[%rem3A_130, %dma_start3A_142, %dma_start3A_143] : memref<8x16x768xf32, #tpu.memory_space<vmem>> -> memref<1x16x768xf32, #tpu.memory_space<vmem>>
        %dma_start3A_145 = tpu.memref_squeeze %dma_start3A_144 : memref<1x16x768xf32, #tpu.memory_space<vmem>> -> memref<16x768xf32, #tpu.memory_space<vmem>>
        %dma_start3A_146 = arith.constant 0 : i32
        %dma_start3A_147 = tpu.memref_slice %arg2[%add3A_133, %dma_start3A_146] : memref<8192x768xf32, #tpu.memory_space<hbm>> -> memref<16x768xf32, #tpu.memory_space<hbm>>
        tpu.enqueue_dma source(%dma_start3A_147 : memref<16x768xf32, #tpu.memory_space<hbm>>) target(%dma_start3A_145 : memref<16x768xf32, #tpu.memory_space<vmem>>) target_semaphore(%dma_start3A_141 : memref<!tpu.dma_semaphore, #tpu.memory_space<semaphore_mem>>)
      } else {
      }
      %rem3A = arith.constant 8 : i32
      %rem3A_95 = arith.remsi %scan3A_85, %rem3A : i32
      %mul3A_96 = arith.constant 16 : i32
      %mul3A_97 = arith.muli %scan3A_85, %mul3A_96 : i32
      %add3A_98 = arith.addi %mul3A_2, %mul3A_97 : i32
      %dma_wait3A = arith.constant 0 : i32
      %dma_wait3A_99 = arith.constant 0 : i32
      %dma_wait3A_100 = tpu.memref_slice %arg4[%rem3A_95, %dma_wait3A, %dma_wait3A_99] : memref<8x16x768xf32, #tpu.memory_space<vmem>> -> memref<1x16x768xf32, #tpu.memory_space<vmem>>
      %dma_wait3A_101 = tpu.memref_squeeze %dma_wait3A_100 : memref<1x16x768xf32, #tpu.memory_space<vmem>> -> memref<16x768xf32, #tpu.memory_space<vmem>>
      %dma_wait3A_102 = arith.constant 0 : i32
      %dma_wait3A_103 = tpu.memref_slice %arg2[%add3A_98, %dma_wait3A_102] : memref<8192x768xf32, #tpu.memory_space<hbm>> -> memref<16x768xf32, #tpu.memory_space<hbm>>
      %dma_wait3A_104 = tpu.memref_slice %arg5[%rem3A_95] : memref<8x!tpu.dma_semaphore, #tpu.memory_space<semaphore_mem>> -> memref<1x!tpu.dma_semaphore, #tpu.memory_space<semaphore_mem>>
      %dma_wait3A_105 = tpu.memref_squeeze %dma_wait3A_104 : memref<1x!tpu.dma_semaphore, #tpu.memory_space<semaphore_mem>> -> memref<!tpu.dma_semaphore, #tpu.memory_space<semaphore_mem>>
      %dma_wait3A_106 = arith.constant 0 : i32
      %dma_wait3A_107 = arith.constant 0 : i32
      %dma_wait3A_108 = tpu.memref_slice %arg4[%rem3A_95, %dma_wait3A_106, %dma_wait3A_107] : memref<8x16x768xf32, #tpu.memory_space<vmem>> -> memref<1x16x768xf32, #tpu.memory_space<vmem>>
      %dma_wait3A_109 = tpu.memref_squeeze %dma_wait3A_108 : memref<1x16x768xf32, #tpu.memory_space<vmem>> -> memref<16x768xf32, #tpu.memory_space<vmem>>
      %dma_wait3A_110 = arith.constant 0 : i32
      %dma_wait3A_111 = tpu.memref_slice %arg2[%add3A_98, %dma_wait3A_110] : memref<8192x768xf32, #tpu.memory_space<hbm>> -> memref<16x768xf32, #tpu.memory_space<hbm>>
      tpu.wait_dma2 semaphore(%dma_wait3A_105 : memref<!tpu.dma_semaphore, #tpu.memory_space<semaphore_mem>>) src(%dma_wait3A_111 : memref<16x768xf32, #tpu.memory_space<hbm>>) dst(%dma_wait3A_109 : memref<16x768xf32, #tpu.memory_space<vmem>>)
      %mul3A_112 = arith.constant 16 : i32
      %mul3A_113 = arith.muli %scan3A_85, %mul3A_112 : i32
      %add3A_114 = arith.addi %mul3A_2, %mul3A_113 : i32
      %dma_start3A_115 = arith.constant 0 : i32
      %dma_start3A_116 = arith.constant 0 : i32
      %dma_start3A_117 = tpu.memref_slice %arg4[%rem3A_95, %dma_start3A_115, %dma_start3A_116] : memref<8x16x768xf32, #tpu.memory_space<vmem>> -> memref<1x16x768xf32, #tpu.memory_space<vmem>>
      %dma_start3A_118 = tpu.memref_squeeze %dma_start3A_117 : memref<1x16x768xf32, #tpu.memory_space<vmem>> -> memref<16x768xf32, #tpu.memory_space<vmem>>
      %dma_start3A_119 = arith.constant 0 : i32
      %dma_start3A_120 = tpu.memref_slice %arg3[%add3A_114, %dma_start3A_119] : memref<8192x768xf32, #tpu.memory_space<hbm>> -> memref<16x768xf32, #tpu.memory_space<hbm>>
      %dma_start3A_121 = tpu.memref_slice %arg6[%rem3A_95] : memref<8x!tpu.dma_semaphore, #tpu.memory_space<semaphore_mem>> -> memref<1x!tpu.dma_semaphore, #tpu.memory_space<semaphore_mem>>
      %dma_start3A_122 = tpu.memref_squeeze %dma_start3A_121 : memref<1x!tpu.dma_semaphore, #tpu.memory_space<semaphore_mem>> -> memref<!tpu.dma_semaphore, #tpu.memory_space<semaphore_mem>>
      %dma_start3A_123 = arith.constant 0 : i32
      %dma_start3A_124 = tpu.memref_slice %arg3[%add3A_114, %dma_start3A_123] : memref<8192x768xf32, #tpu.memory_space<hbm>> -> memref<16x768xf32, #tpu.memory_space<hbm>>
      %dma_start3A_125 = arith.constant 0 : i32
      %dma_start3A_126 = arith.constant 0 : i32
      %dma_start3A_127 = tpu.memref_slice %arg4[%rem3A_95, %dma_start3A_125, %dma_start3A_126] : memref<8x16x768xf32, #tpu.memory_space<vmem>> -> memref<1x16x768xf32, #tpu.memory_space<vmem>>
      %dma_start3A_128 = tpu.memref_squeeze %dma_start3A_127 : memref<1x16x768xf32, #tpu.memory_space<vmem>> -> memref<16x768xf32, #tpu.memory_space<vmem>>
      tpu.enqueue_dma source(%dma_start3A_128 : memref<16x768xf32, #tpu.memory_space<vmem>>) target(%dma_start3A_124 : memref<16x768xf32, #tpu.memory_space<hbm>>) target_semaphore(%dma_start3A_122 : memref<!tpu.dma_semaphore, #tpu.memory_space<semaphore_mem>>)
    }
    %scan3A_78 = arith.constant 8 : i32
    %scan3A_79 = arith.constant 0 : i32
    %scan3A_80 = arith.constant 4 : i32
    %scan3A_81 = arith.constant 4 : i32
    %scan3A_82 = arith.addi %scan3A_80, %scan3A_81 : i32
    %scan3A_83 = arith.constant 1 : i32
    scf.for %scan3A_85 = %scan3A_80 to %scan3A_82 step %scan3A_83  : i32 {
      %rem3A = arith.constant 8 : i32
      %rem3A_86 = arith.remsi %scan3A_85, %rem3A : i32
      %mul3A_87 = arith.constant 16 : i32
      %mul3A_88 = arith.muli %scan3A_85, %mul3A_87 : i32
      %add3A_89 = arith.addi %mul3A_2, %mul3A_88 : i32
      %dma_wait3A = arith.constant 0 : i32
      %dma_wait3A_90 = arith.constant 0 : i32
      %dma_wait3A_91 = tpu.memref_slice %arg4[%rem3A_86, %dma_wait3A, %dma_wait3A_90] : memref<8x16x768xf32, #tpu.memory_space<vmem>> -> memref<1x16x768xf32, #tpu.memory_space<vmem>>
      %dma_wait3A_92 = tpu.memref_squeeze %dma_wait3A_91 : memref<1x16x768xf32, #tpu.memory_space<vmem>> -> memref<16x768xf32, #tpu.memory_space<vmem>>
      %dma_wait3A_93 = arith.constant 0 : i32
      %dma_wait3A_94 = tpu.memref_slice %arg3[%add3A_89, %dma_wait3A_93] : memref<8192x768xf32, #tpu.memory_space<hbm>> -> memref<16x768xf32, #tpu.memory_space<hbm>>
      %dma_wait3A_95 = tpu.memref_slice %arg6[%rem3A_86] : memref<8x!tpu.dma_semaphore, #tpu.memory_space<semaphore_mem>> -> memref<1x!tpu.dma_semaphore, #tpu.memory_space<semaphore_mem>>
      %dma_wait3A_96 = tpu.memref_squeeze %dma_wait3A_95 : memref<1x!tpu.dma_semaphore, #tpu.memory_space<semaphore_mem>> -> memref<!tpu.dma_semaphore, #tpu.memory_space<semaphore_mem>>
      %dma_wait3A_97 = arith.constant 0 : i32
      %dma_wait3A_98 = tpu.memref_slice %arg3[%add3A_89, %dma_wait3A_97] : memref<8192x768xf32, #tpu.memory_space<hbm>> -> memref<16x768xf32, #tpu.memory_space<hbm>>
      %dma_wait3A_99 = arith.constant 0 : i32
      %dma_wait3A_100 = arith.constant 0 : i32
      %dma_wait3A_101 = tpu.memref_slice %arg4[%rem3A_86, %dma_wait3A_99, %dma_wait3A_100] : memref<8x16x768xf32, #tpu.memory_space<vmem>> -> memref<1x16x768xf32, #tpu.memory_space<vmem>>
      %dma_wait3A_102 = tpu.memref_squeeze %dma_wait3A_101 : memref<1x16x768xf32, #tpu.memory_space<vmem>> -> memref<16x768xf32, #tpu.memory_space<vmem>>
      tpu.wait_dma2 semaphore(%dma_wait3A_96 : memref<!tpu.dma_semaphore, #tpu.memory_space<semaphore_mem>>) src(%dma_wait3A_102 : memref<16x768xf32, #tpu.memory_space<vmem>>) dst(%dma_wait3A_98 : memref<16x768xf32, #tpu.memory_space<hbm>>)
    }
    %scan3A_84 = arith.constant 4 : i32
    return
  }
}

</mosaic_0001>

<sc_bundles>
// kernel: kernel.3.cloned.1.call-start
scs
__scs_entry_jumppad:
0x0: {  	(pc) =	sbr.rel $0x88, $3  }
0x1: {  	(tag) =	ssettag $0x0;
	lr =	simm.s32 $0x1  }
0x2: {  	[smem:$0x3FA0] =	sst lr;
	_ =	strace $0xD0000000  }
0x3: {  	_ = 	snop  }
0x4: {  	_ = 	snop  }
0x5: {  	_ = 	snop  }
0x6: {  	_ = 	snop  }
0x7: {  	_ = 	snop  }
__scs_overlays_trampoline_lowered:
0x8: {  	[smem:$0x3FAF] =	sst s0  }
0x9: {  	[smem:$0x3FB0] =	sst s1  }
0xa: {  	[smem:$0x3FB1] =	sst s2  }
0xb: {  	[smem:$0x3FB2] =	sst s3  }
0xc: {  	[smem:$0x3FB3] =	sst s4  }
0xd: {  	[smem:$0x3FB4] =	sst s5  }
0xe: {  	[smem:$0x3FB5] =	sst s6  }
0xf: {  	[smem:$0x3FB6] =	sst s7  }
0x10: {  	[smem:$0x3FB7] =	sst s8  }
0x11: {  	[smem:$0x3FB8] =	sst s9;
	s0 =	simm.s32 @!p0 $0x0  }
0x12: {  	s1 =	sld [smem:$0x3F9E];
	s0 =	simm.s32 @p0 $0x1  }
0x13: {  	[smem:$0x3FB9] =	sst s0;
	s0 =	simm.s32 @!p1 $0x0  }
0x14: {  	s2 =	sld [smem:$0x3F9D];
	s0 =	simm.s32 @p1 $0x1  }
0x15: {  	[smem:$0x3FBA] =	sst s0;
	s0 =	simm.s32 @!p2 $0x0  }
0x16: {  	s3 =	sld [smem:$0x3FDB];
	s0 =	simm.s32 @p2 $0x1  }
0x17: {  	s4 =	simm.s32 $0x1BF5;
	[smem:$0x3FBC] =	sst s0  }
0x18: {  	s0 =	sld [smem:$0x3F9F];
	_ =	swait.ge [sflag:s4], $0x0  }
0x19: {  	s7 =	sld [smem:$0x3FA0]  }
0x1a: {  	s8 =	sadd.s32 $0xFFFFE003, lr  }
0x1b: {  	s9 =	sadd.s32 $0xFFFFFEF7, lr;
	s5 =	simm.s32 $0xFFFFFFFF;
	p2 =	slt.u32 s8, $0xFFFFF086  }
0x1c: {  	p1 =	slt.u32 s9, $0xF7A;
	s5 =	simm.s32 @!p2 $0x0  }
0x1d: {  	s5 =	simm.s32 @p1 $0x1;
	p0 =	seq.s32 s7, s2  }
0x1e: {  	s7 =	smul.u32 @!p0 $0xF7A, s2;
	p2 =	seq.s32 @!p0 s5, $0x0  }
0x1f: {  	s9 =	smul.u32 $0xF7A, s1;
	s8 =	simm.s32 @!p0 $0x1BF5;
	p2 =	por !p2, p0  }
0x20: {  	[sflag:s8] =	ssyncset.s32 @!p0 $0xFFFFF086;
	s6 =	sadd.s32 @!p0 s3, s7;
	s7 =	simm.s32 @!p0 $0x108  }
0x21: {  	s3 =	sadd.s32 s3, s9;
	s6 =	sadd.s32 @!p0 $0x88, s6;
	s7 =	simm.s32 @p2 $0x1082  }
0x22: {  	[simem:s7], [sflag:s8] =	dma.local @!p0 [hbm:s6], $0xF7A  }
0x23: {  	s9 =	sor.u32 $0xD0000000, s2;
	s6 =	simm.s32 $0x108;
	_ =	swait.ge @!p0 [sflag:s8], $0x0  }
0x24: {  	s3 =	sadd.s32 $0x88, s3;
	s6 =	simm.s32 @!p1 $0x1082;
	[sflag:s4] =	ssyncset.s32 $0xFFFFF086  }
0x25: {  	[simem:s6], [sflag:s4] =	dma.local [hbm:s3], $0xF7A  }
0x26: {  	[smem:$0x3FA0] =	sst s1;
	(tag) =	ssettag s2;
	_ =	strace s9  }
0x27: {  	s1 =	sld [smem:$0x3FB0]  }
0x28: {  	s2 =	sld [smem:$0x3FB1]  }
0x29: {  	s4 =	sld [smem:$0x3FB3]  }
0x2a: {  	p0 =	seq.s32 s5, $0x0;
	s5 =	sld [smem:$0x3FB4]  }
0x2b: {  	s6 =	sld [smem:$0x3FB5]  }
0x2c: {  	s7 =	sld [smem:$0x3FB6]  }
0x2d: {  	s3 =	simm.s32 $0x108;
	s8 =	sld [smem:$0x3FB7]  }
0x2e: {  	s3 =	simm.s32 @!p0 $0x1082;
	s9 =	sld [smem:$0x3FB8]  }
0x2f: {  	lr =	sadd.s32 s0, s3;
	s0 =	sld [smem:$0x3FAF]  }
0x30: {  	s3 =	sld [smem:$0x3FB2]  }
0x31: {  	[smem:$0x3FBB] =	sst s10  }
0x32: {  	s10 =	sld [smem:$0x3FB9];
	_ =	sdelay $0x3  }
0x33: {  	p0 =	seq.s32 s10, $0x1;
	s10 =	sld [smem:$0x3FBB];
	_ =	sdelay $0x3  }
0x34: {  	[smem:$0x3FBB] =	sst s10  }
0x35: {  	s10 =	sld [smem:$0x3FBA];
	_ =	sdelay $0x3  }
0x36: {  	p1 =	seq.s32 s10, $0x1;
	s10 =	sld [smem:$0x3FBB];
	_ =	sdelay $0x3  }
0x37: {  	[smem:$0x3FBB] =	sst s10  }
0x38: {  	s10 =	sld [smem:$0x3FBC]  }
0x39: {  	_ = 	snop;
	(pc) =	sbr.ind lr, $3  }
0x3a: {  	_ = 	snop  }
0x3b: {  	_ = 	snop  }
0x3c: {  	p2 =	seq.s32 s10, $0x1;
	s10 =	sld [smem:$0x3FBB]  }
0x3d: {  	_ =	shalt  }
0x3e: {  	_ =	shalt  }
0x3f: {  	_ =	shalt  }
0x40: {  	_ =	shalt  }
0x41: {  	_ =	shalt  }
0x42: {  	_ =	shalt  }
0x43: {  	_ =	shalt  }
0x44: {  	_ =	shalt  }
0x45: {  	_ =	shalt  }
0x46: {  	_ =	shalt  }
0x47: {  	_ =	shalt  }
0x48: {  	_ =	shalt  }
0x49: {  	_ =	shalt  }
0x4a: {  	_ =	shalt  }
0x4b: {  	_ =	shalt  }
0x4c: {  	_ =	shalt  }
0x4d: {  	_ =	shalt  }
0x4e: {  	_ =	shalt  }
0x4f: {  	_ =	shalt  }
0x50: {  	_ =	shalt  }
0x51: {  	_ =	shalt  }
0x52: {  	_ =	shalt  }
0x53: {  	_ =	shalt  }
0x54: {  	_ =	shalt  }
0x55: {  	_ =	shalt  }
0x56: {  	_ =	shalt  }
0x57: {  	_ =	shalt  }
0x58: {  	_ =	shalt  }
0x59: {  	_ =	shalt  }
0x5a: {  	_ =	shalt  }
0x5b: {  	_ =	shalt  }
0x5c: {  	_ =	shalt  }
0x5d: {  	_ =	shalt  }
0x5e: {  	_ =	shalt  }
0x5f: {  	_ =	shalt  }
0x60: {  	_ =	shalt  }
0x61: {  	_ =	shalt  }
0x62: {  	_ =	shalt  }
0x63: {  	_ =	shalt  }
0x64: {  	_ =	shalt  }
0x65: {  	_ =	shalt  }
0x66: {  	_ =	shalt  }
0x67: {  	_ =	shalt  }
0x68: {  	_ =	shalt  }
0x69: {  	_ =	shalt  }
0x6a: {  	_ =	shalt  }
0x6b: {  	_ =	shalt  }
0x6c: {  	_ =	shalt  }
0x6d: {  	_ =	shalt  }
0x6e: {  	_ =	shalt  }
0x6f: {  	_ =	shalt  }
0x70: {  	_ =	shalt  }
0x71: {  	_ =	shalt  }
0x72: {  	_ =	shalt  }
0x73: {  	_ =	shalt  }
0x74: {  	_ =	shalt  }
0x75: {  	_ =	shalt  }
0x76: {  	_ =	shalt  }
0x77: {  	_ =	shalt  }
0x78: {  	_ =	shalt  }
0x79: {  	_ =	shalt  }
0x7a: {  	_ =	shalt  }
0x7b: {  	_ =	shalt  }
0x7c: {  	_ =	shalt  }
0x7d: {  	_ =	shalt  }
0x7e: {  	_ =	shalt  }
0x7f: {  	_ =	shalt  }
0x80: {  	_ =	shalt  }
0x81: {  	_ =	shalt  }
0x82: {  	_ =	shalt  }
0x83: {  	_ =	shalt  }
0x84: {  	_ =	shalt  }
0x85: {  	_ =	shalt  }
0x86: {  	_ =	shalt  }
0x87: {  	_ =	shalt  }
.Lfunc_end0:
.L_simem_size_0:
called_computation_lowered:
.L_overlay_start_0:
0x88: {  	s2 =	sld [smem:$0x3FD9]  }
0x89: {  	s3 =	sld [smem:$0x3FFE];
	_ =	sdelay $0x1  }
0x8a: {  	s1 =	srdreg.scid  }
0x8b: {  	s0 =	sand.u32 $0x1, s1  }
0x8c: {  	s20 =	sshll.u32 s0, $0xA;
	s2 =	sadd.s32 s3, s2  }
0x8d: {  	s2 =	sadd.s32 s2, s20  }
0x8e: {  	s4 =	simm.s32 $0x0;
	[smem:$0x3FC7] =	sst s2  }
0x8f: {  	[smem:$0xF] =	sst s4  }
0x90: {  	s2 =	sld [smem:$0x3FC9]  }
0x91: {  	s3 =	sld [smem:$0x3FD0];
	(tm) =	ssettm $0x1  }
0x92: {  	s5 =	sld [smem:$0x3FFB];
	_ =	sdelay $0x3  }
0x93: {  	_ =	strace s5  }
0x94: {  	s5 =	sld [smem:$0x3FFC];
	_ =	sdelay $0x3  }
0x95: {  	_ =	strace s5  }
0x96: {  	s5 =	sld [smem:$0x3FFD];
	_ =	sdelay $0x3  }
0x97: {  	_ =	strace s5  }
0x98: {  	_ =	strace $0x8FFFFFFF  }
0x99: {  	s21 =	sld [smem:$0x3FDB];
	_ =	sdelay $0x2  }
0x9a: {  	s6 =	simm.s32 $_scs_section_size;
	s7 =	simm.s32 $_tile_overlayer_lowered  }
0x9b: {  	s22 =	simm.s32 $_size__tile_overlayer_lowered;
	s7 =	sshll.u32 s7, $0x1;
	s5 =	sadd.s32 s6, s21  }
0x9c: {  	s8 =	simm.s32 $0x1BFF;
	s6 =	sshll.u32 s22, $0x1;
	s7 =	sadd.s32 s7, s5  }
0x9d: {  	[timem:s4], [sflag:s8] =	dma.local [hbm:s7], s6  }
0x9e: {  	_ =	swait.ge [sflag:s8], s6  }
0x9f: {  	s6 =	ssub.s32 $0x0, s6;
	[sflag:s8] =	ssyncset.done $0x0  }
0xa0: {  	[sflag:s8] =	ssyncadd.s32 s6;
	_ =	sdelay $0x1  }
0xa1: {  	s23 =	simm.s32 $0x1B8B  }
0xa2: {  	_ =	swait.ge [sflag:s23], $0x1  }
0xa3: {  	[sflag:s23] =	ssyncset.done $0x0  }
0xa4: {  	s24 =	simm.s32 $0x1B8E;
	[sflag:s23] =	ssyncadd.s32 $0xFFFFFFFF  }
0xa5: {  	s25 =	simm.s32 $execute0_lowered;
	[smem:$0x3FD2] =	sst s24  }
0xa6: {  	s6 =	sshll.u32 s25, $0x1;
	_ =	strace $0x80000046;
	[dreg:$0x1] =	wrdreg $0xFFFFFFFF  }
0xa7: {  	s26 =	simm.s32 $_size_execute0_lowered;
	s5 =	sadd.s32 s5, s6;
	[dreg:$0x0] =	wrdreg $0x0  }
0xa8: {  	s6 =	sshll.u32 s26, $0x1;
	[dreg:$0x2] =	wrdreg s5  }
0xa9: {  	[dreg:$0x3] =	wrdreg s6  }
0xaa: {  	[dreg:$0x4] =	wrdreg $0xC0  }
0xab: {  	s28 =	sshll.u32 s0, $0xB;
	_ =	task [dreg:s4], $0x5FFFF  }
0xac: {  	s5 =	sor.u32 $0x1000, s28;
	[dreg:$0x1] =	wrdreg $0xFFFFFFFF  }
0xad: {  	s29 =	sshrl.u32 s5, $0x3;
	[dreg:$0x0] =	wrdreg $0x60  }
0xae: {  	s6 =	smul.u32 $0x300, s29;
	[dreg:$0x2] =	wrdreg s2  }
.Ltmp0:
0xaf: {  	[dreg:$0x3] =	wrdreg s3;
	(pc) =	sbr.rel .LBB1_1-.Ltmp0, $3  }
0xb0: {  	s30 =	simm.s32 $0xA;
	[dreg:$0x4] =	wrdreg $0x9  }
0xb1: {  	s31 =	simm.s32 $0x30000;
	s6 =	sadd.s32 s6, s2;
	_ =	task.clear_ibuf [dreg:s4], $0x5FFFF  }
0xb2: {  	[spmem:s31], [sflag:s30] =	dma.local [hbm:s6], $0x6000  }
.LBB1_3:
0xb3: {  	s7 =	sadd.s32 @!p0 $0x1, s4  }
0xb4: {  	s7 =	simm.s32 @p0 $0x1  }
0xb5: {  	s8 =	sshll.u32 s7, $0x8  }
0xb6: {  	s9 =	sand.u32 $0x1, s7;
	s8 =	sadd.s32 s5, s8  }
0xb7: {  	s10 =	smul.u32 $0xC0000, s9;
	s8 =	sshrl.u32 s8, $0x3  }
0xb8: {  	s8 =	smul.u32 $0x300, s8  }
0xb9: {  	s6 =	simm.s32 @p0 $0x0;
	s10 =	sshrl.u32 s10, $0x5  }
0xba: {  	s9 =	sor.u32 $0xA, s9;
	s10 =	sor.u32 $0x30000, s10;
	s8 =	sadd.s32 s2, s8  }
0xbb: {  	[spmem:s10], [sflag:s9] =	dma.local [hbm:s8], $0x6000  }
.LBB1_4:
0xbc: {  	s4 =	sshll.u32 s4, $0x8  }
0xbd: {  	s8 =	sor.u32 $0xA, s6;
	s4 =	sor.u32 s5, s4  }
0xbe: {  	s9 =	smul.u32 $0xC0000, s6;
	_ =	swait.ge [sflag:s8], $0x6000;
	s4 =	sshrl.u32 s4, $0x3  }
0xbf: {  	s31 =	sor.u32 $0xC, s6;
	[sflag:s8] =	ssyncset.done $0x0;
	s4 =	smul.u32 $0x300, s4  }
0xc0: {  	p0 =	slt.u32 s7, $0x8;
	s30 =	sshrl.u32 s9, $0x5;
	[sflag:s8] =	ssyncadd.s32 $0xFFFFA000  }
0xc1: {  	s2 =	simm.s32 @!p0 $0xD;
	s8 =	sor.u32 $0x30000, s30;
	s4 =	sadd.s32 s3, s4  }
0xc2: {  	[hbm:s4], [sflag:s31] =	dma.local [spmem:s8], $0x6000  }
0xc3: {  	_ =	swait.ge @!p0 [sflag:s2], $0x6000  }
0xc4: {  	[sflag:s2] =	ssyncset.done @!p0 $0x0  }
0xc5: {  	[sflag:s2] =	ssyncadd.s32 @!p0 $0xFFFFA000  }
0xc6: {  	_ =	strace @!p0 $0x90000046  }
0xc7: {  	s2 =	simm.s32 @!p0 $0x9;
	_ =	strace @!p0 $0x80000048  }
0xc8: {  	_ =	swait.ge @!p0 [sflag:s2], $0x1  }
0xc9: {  	[sflag:s2] =	ssyncadd.s32 @!p0 $0xFFFFFFFF  }
0xca: {  	_ =	strace @!p0 $0x90000048  }
0xcb: {  	_ =	sfence @!p0  }
0xcc: {  	s2 =	sld @!p0 [smem:$0x0];
	_ =	sdelay $0x2  }
0xcd: {  	s3 =	sshll.u32 @!p0 s1, $0xD;
	s1 =	sshrl.u32 @!p0 s1, $0x2  }
0xce: {  	s1 =	sadd.s32 @!p0 s1, s2;
	s2 =	sand.u32 @!p0 $0x4000, s3  }
0xcf: {  	s0 =	sor.u32 @!p0 s2, s0;
	s1 =	sshll.u32 @!p0 s1, $0x11  }
0xd0: {  	s0 =	sor.u32 @!p0 s1, s0  }
0xd1: {  	s0 =	sadd.s32 @!p0 $0x8F2B, s0  }
0xd2: {  	[sflag:s0] =	ssyncadd.remote.s32 @!p0 $0x1  }
0xd3: {  	_ =	sfence.sel @!p0 $0xFFFF  }
0xd4: {  	[dreg:$0x0] =	wrdreg @!p0 $0xFFFFFFFF;
	(pc) =	sbr.abs @!p0 _section_cstart, $3  }
0xd5: {  	s0 =	simm.s32 @!p0 $0x0;
	[dreg:$0x1] =	wrdreg @!p0 $0xFFFFFFFF  }
0xd6: {  	_ =	task.clear_ibuf @!p0 [dreg:s0], $0x2FFFF;
	_ =	strace @!p0 $0x9FFFFFFF  }
0xd7: {  	s4 =	smov.u32 s7;
	(tm) =	ssettm @!p0 $0x7FFFFFFF  }
.Ltmp1:
0xd8: {  	_ = 	snop;
	(pc) =	sbr.rel .LBB1_1-.Ltmp1, $1  }
0xd9: {  	_ =	sdelay $0x2  }
.LBB1_1:
0xda: {  	p0 =	seq.s32 s4, $0x0  }
0xdb: {  	s6 =	sand.u32 @!p0 $0x1, s4;
	p1 =	seq.s32 @!p0 s4, $0x7  }
0xdc: {  	s7 =	sxor.u32 @!p0 $0x1, s6;
	p1 =	por p0, !p1  }
.Ltmp2:
0xdd: {  	s7 =	sor.u32 @!p0 $0xC, s7;
	(pc) =	sbr.rel @p1 .LBB1_3-.Ltmp2, $3  }
0xde: {  	_ =	swait.ge @!p0 [sflag:s7], $0x6000  }
0xdf: {  	[sflag:s7] =	ssyncset.done @!p0 $0x0  }
0xe0: {  	[sflag:s7] =	ssyncadd.s32 @!p0 $0xFFFFA000  }
.Ltmp3:
0xe1: {  	(pc) =	sbr.rel .LBB1_4-.Ltmp3, $2  }
0xe2: {  	_ =	sdelay $0x1  }
0xe3: {  	s7 =	simm.s32 @!p0 $0x8;
	s6 =	simm.s32 @!p0 $0x1  }
tec
execute0_lowered:
.L_overlay_start_1:
0x0: {  	(tag) =	ssettag $0x1  }
0x1: {  	s1 =	srdreg.scid;
	s4 =	rddreg [dreg:$0x0]  }
0x2: {  	s0 =	stileid.u32;
	s5 =	rddreg [dreg:$0x1];
	s28 =	simm.s32 $0x3000  }
0x3: {  	s15 =	simm.s32 $0xC000;
	s31 =	simm.s32 $0x1;
	s11 =	simm.s32 $0xF000  }
0x4: {  	s30 =	simm.s32 $0x2;
	s29 =	simm.s32 $0x3;
	s1 =	sand.u32 $0x1, s1  }
0x5: {  	p0 =	por $0x0, $0x0;
	s2 =	sshll.u32 s0, $0x5;
	s3 =	sshll.u32 s1, $0x4  }
0x6: {  	s13 =	simm.s32 $0x8;
	s12 =	simm.s32 $0xD;
	s3 =	sor.u32 s3, s2  }
0x7: {  	s1 =	ssub.s32 $0x2, s1;
	s2 =	simm.s32 $0x0;
	s6 =	smul.u32 $0x300, s3  }
0x8: {  	s23 =	sshrl.u32 s1, $0x1;
	s3 =	smul.u32 $0x1800, s3;
	[smem:$0x7FF] =	sst s2  }
0x9: {  	s1 =	ssub.s32 s1, s23;
	s23 =	simm.s32 $0x5;
	_ =	strace $0x80000047  }
0xa: {  	s1 =	smax.u32 s1, $0x1;
	s14 =	sadd.s32 s4, s6;
	s3 =	sshrl.u32 s3, $0x3  }
0xb: {  	s17 =	sadd.s32 $0x1800, s6;
	s8 =	sadd.s32 $0x1E00, s6;
	s9 =	sadd.s32 $0x2400, s6  }
0xc: {  	s10 =	sadd.s32 $0x2A00, s6;
	p1 =	sne.s32 s1, $0x1;
	s7 =	sadd.s32 $0x600, s14  }
0xd: {  	s0 =	sadd.s32 $0xFFFFFFFF, s1;
	s16 =	sadd.s32 $0xC00, s14;
	[dreg:$0x3] =	wrdreg s7  }
0xe: {  	s3 =	sadd.s32 s4, s3;
	s18 =	sadd.s32 s4, s17;
	[dreg:$0x4] =	wrdreg s16  }
0xf: {  	s19 =	sadd.s32 s4, s8;
	s21 =	sadd.s32 s4, s9;
	[dreg:$0x6] =	wrdreg s18  }
0x10: {  	s24 =	sadd.s32 s4, s10;
	s26 =	sadd.s32 s5, s17;
	[dreg:$0x7] =	wrdreg s19  }
0x11: {  	s4 =	sadd.s32 s5, s9;
	s17 =	simm.s32 $0xC;
	[dreg:$0x9] =	wrdreg s21  }
0x12: {  	s9 =	simm.s32 $0xF;
	s3 =	sadd.s32 $0x1200, s3;
	[dreg:$0xb] =	wrdreg s24  }
0x13: {  	s18 =	sadd.s32 s5, s6;
	[dreg:$0xd] =	wrdreg s26;
	s6 =	sadd.s32 s5, s8  }
0x14: {  	s24 =	simm.s32 $0x6000;
	s21 =	simm.s32 $0x9000;
	s8 =	simm.s32 $0x12000  }
0x15: {  	s26 =	simm.s32 $0x4;
	s19 =	simm.s32 $0xB;
	s16 =	simm.s32 $0x7  }
.Ltmp4:
0x16: {  	[dreg:$0x5] =	wrdreg s3;
	s20 =	sadd.s32 $0x600, s18;
	(pc) =	sbr.rel @!p1 .LBB2_3-.Ltmp4, $4  }
0x17: {  	s7 =	simm.s32 $0x10;
	s22 =	sadd.s32 $0xC00, s18;
	[dreg:$0x8] =	wrdreg s20  }
0x18: {  	s25 =	sadd.s32 $0x1200, s18;
	s3 =	sadd.s32 s5, s10;
	[dreg:$0xa] =	wrdreg s22  }
0x19: {  	s5 =	simm.s32 $0x15000;
	s10 =	simm.s32 $0xE;
	[dreg:$0xc] =	wrdreg s25  }
0x1a: {  	s25 =	simm.s32 $0x9;
	s22 =	simm.s32 $0xA;
	s20 =	simm.s32 $0x6  }
0x1b: {  	[dreg:$0xe] =	wrdreg s0  }
0x1c: {  	[tilespmem:s2], [sflag:$0x1] =	stream.linear.gather [hbm4b:s14+s2], $0x3000, $0x38;
	[tilespmem:$0x1E000] =	vst v63  }
0x1d: {  	s0 =	rddreg [dreg:$0x3]  }
0x1e: {  	[tilespmem:s28], [sflag:$0x2] =	stream.linear.gather [hbm4b:s0+s2], $0x3000, $0x38;
	[tilespmem:$0x1E000] =	vst v63  }
0x1f: {  	s1 =	rddreg [dreg:$0x4]  }
0x20: {  	[tilespmem:s24], [sflag:$0x3] =	stream.linear.gather [hbm4b:s1+s2], $0x3000, $0x38;
	[tilespmem:$0x1E000] =	vst v63  }
0x21: {  	s0 =	rddreg [dreg:$0x5]  }
0x22: {  	[tilespmem:s21], [sflag:$0x4] =	stream.linear.gather [hbm4b:s0+s2], $0x3000, $0x38;
	[tilespmem:$0x1E000] =	vst v63  }
0x23: {  	s1 =	rddreg [dreg:$0x6]  }
0x24: {  	[tilespmem:s15], [sflag:$0x5] =	stream.linear.gather [hbm4b:s1+s2], $0x3000, $0x38;
	[tilespmem:$0x1E000] =	vst v63  }
0x25: {  	_ =	swait.ge [sflag:s31], $0x3000  }
0x26: {  	[sflag:s31] =	ssyncset.done $0x0  }
0x27: {  	[sflag:s31] =	ssyncadd.s32 $0xFFFFD000  }
0x28: {  	[hbm4b:s18+s2] =	stream.linear.scatter [tilespmem:s2], [sflag:$0x9], $0x3000, $0x38;
	[tilespmem:$0x1E000] =	vst v63  }
0x29: {  	s1 =	rddreg [dreg:$0x7]  }
0x2a: {  	[tilespmem:s11], [sflag:$0x6] =	stream.linear.gather [hbm4b:s1+s2], $0x3000, $0x38;
	[tilespmem:$0x1E000] =	vst v63  }
0x2b: {  	_ =	swait.ge [sflag:s30], $0x3000  }
0x2c: {  	[sflag:s30] =	ssyncset.done $0x0  }
0x2d: {  	s0 =	rddreg [dreg:$0x8];
	[sflag:s30] =	ssyncadd.s32 $0xFFFFD000  }
0x2e: {  	[hbm4b:s0+s2] =	stream.linear.scatter [tilespmem:s28], [sflag:$0xA], $0x3000, $0x38;
	[tilespmem:$0x1E000] =	vst v63  }
0x2f: {  	s1 =	rddreg [dreg:$0x9]  }
0x30: {  	[tilespmem:s8], [sflag:$0x7] =	stream.linear.gather [hbm4b:s1+s2], $0x3000, $0x38;
	[tilespmem:$0x1E000] =	vst v63  }
0x31: {  	_ =	swait.ge [sflag:s29], $0x3000  }
0x32: {  	[sflag:s29] =	ssyncset.done $0x0  }
0x33: {  	s0 =	rddreg [dreg:$0xa];
	[sflag:s29] =	ssyncadd.s32 $0xFFFFD000  }
0x34: {  	[hbm4b:s0+s2] =	stream.linear.scatter [tilespmem:s24], [sflag:$0xB], $0x3000, $0x38;
	[tilespmem:$0x1E000] =	vst v63  }
0x35: {  	s1 =	rddreg [dreg:$0xb]  }
0x36: {  	[tilespmem:s5], [sflag:$0x8] =	stream.linear.gather [hbm4b:s1+s2], $0x3000, $0x38;
	[tilespmem:$0x1E000] =	vst v63  }
0x37: {  	_ =	swait.ge [sflag:s26], $0x3000  }
0x38: {  	[sflag:s26] =	ssyncset.done $0x0  }
0x39: {  	s1 =	rddreg [dreg:$0xc];
	[sflag:s26] =	ssyncadd.s32 $0xFFFFD000  }
0x3a: {  	[hbm4b:s1+s2] =	stream.linear.scatter [tilespmem:s21], [sflag:$0xC], $0x3000, $0x38;
	[tilespmem:$0x1E000] =	vst v63  }
0x3b: {  	_ =	swait.ge [sflag:s25], $0x3000  }
0x3c: {  	[sflag:s25] =	ssyncset.done $0x0  }
0x3d: {  	[sflag:s25] =	ssyncadd.s32 $0xFFFFD000  }
0x3e: {  	_ =	swait.ge [sflag:s23], $0x3000  }
0x3f: {  	[sflag:s23] =	ssyncset.done $0x0  }
0x40: {  	s1 =	rddreg [dreg:$0xd];
	[sflag:s23] =	ssyncadd.s32 $0xFFFFD000  }
0x41: {  	[hbm4b:s1+s2] =	stream.linear.scatter [tilespmem:s15], [sflag:$0xD], $0x3000, $0x38;
	[tilespmem:$0x1E000] =	vst v63  }
0x42: {  	_ =	swait.ge [sflag:s22], $0x3000  }
0x43: {  	[sflag:s22] =	ssyncset.done $0x0  }
0x44: {  	[sflag:s22] =	ssyncadd.s32 $0xFFFFD000  }
0x45: {  	_ =	swait.ge [sflag:s20], $0x3000  }
0x46: {  	[sflag:s20] =	ssyncset.done $0x0  }
0x47: {  	[sflag:s20] =	ssyncadd.s32 $0xFFFFD000  }
0x48: {  	[hbm4b:s6+s2] =	stream.linear.scatter [tilespmem:s11], [sflag:$0xE], $0x3000, $0x38;
	[tilespmem:$0x1E000] =	vst v63  }
0x49: {  	_ =	swait.ge [sflag:s19], $0x3000  }
0x4a: {  	[sflag:s19] =	ssyncset.done $0x0  }
0x4b: {  	[sflag:s19] =	ssyncadd.s32 $0xFFFFD000  }
0x4c: {  	_ =	swait.ge [sflag:s16], $0x3000  }
0x4d: {  	[sflag:s16] =	ssyncset.done $0x0  }
0x4e: {  	[sflag:s16] =	ssyncadd.s32 $0xFFFFD000  }
0x4f: {  	[hbm4b:s4+s2] =	stream.linear.scatter [tilespmem:s8], [sflag:$0xF], $0x3000, $0x38;
	[tilespmem:$0x1E000] =	vst v63  }
0x50: {  	_ =	swait.ge [sflag:s17], $0x3000  }
0x51: {  	[sflag:s17] =	ssyncset.done $0x0  }
0x52: {  	[sflag:s17] =	ssyncadd.s32 $0xFFFFD000  }
0x53: {  	_ =	swait.ge [sflag:s13], $0x3000  }
0x54: {  	[sflag:s13] =	ssyncset.done $0x0  }
0x55: {  	[sflag:s13] =	ssyncadd.s32 $0xFFFFD000  }
0x56: {  	[hbm4b:s3+s2] =	stream.linear.scatter [tilespmem:s5], [sflag:$0x10], $0x3000, $0x38;
	[tilespmem:$0x1E000] =	vst v63  }
0x57: {  	_ =	swait.ge [sflag:s12], $0x3000  }
0x58: {  	[sflag:s12] =	ssyncset.done $0x0  }
0x59: {  	[sflag:s12] =	ssyncadd.s32 $0xFFFFD000  }
0x5a: {  	_ =	swait.ge [sflag:s10], $0x3000  }
0x5b: {  	[sflag:s10] =	ssyncset.done $0x0  }
0x5c: {  	[sflag:s10] =	ssyncadd.s32 $0xFFFFD000  }
0x5d: {  	_ =	swait.ge [sflag:s9], $0x3000  }
0x5e: {  	s1 =	rddreg [dreg:$0xe]  }
0x5f: {  	p1 =	sne.s32 s1, $0x1  }
.Ltmp5:
0x60: {  	_ = 	snop;
	(pc) =	sbr.rel @!p1 .LBB2_3-.Ltmp5, $4  }
0x61: {  	[sflag:s9] =	ssyncset.done $0x0  }
0x62: {  	[sflag:s9] =	ssyncadd.s32 $0xFFFFD000  }
0x63: {  	_ =	swait.ge [sflag:s7], $0x3000  }
0x64: {  	p0 =	por $0x1, $0x1;
	s1 =	sadd.s32 $0xFFFFFFFF, s1;
	[sflag:s7] =	ssyncset.done $0x0  }
.LBB2_2:
0x65: {  	[sflag:s7] =	ssyncadd.s32 $0xFFFFD000  }
0x66: {  	[tilespmem:s2], [sflag:$0x1] =	stream.linear.gather [hbm4b:s14+s2], $0x3000, $0x38;
	[tilespmem:$0x1E000] =	vst v63  }
0x67: {  	s0 =	rddreg [dreg:$0x3];
	s7 =	simm.s32 $0x3000;
	s28 =	simm.s32 $0x6000  }
0x68: {  	[tilespmem:s7], [sflag:$0x2] =	stream.linear.gather [hbm4b:s0+s2], $0x3000, $0x38;
	[tilespmem:$0x1E000] =	vst v63  }
0x69: {  	s5 =	smov.u32 s4;
	s4 =	smov.u32 s3;
	s3 =	rddreg [dreg:$0x4]  }
0x6a: {  	[tilespmem:s28], [sflag:$0x3] =	stream.linear.gather [hbm4b:s3+s2], $0x3000, $0x38;
	[tilespmem:$0x1E000] =	vst v63  }
0x6b: {  	s24 =	simm.s32 $0x9000;
	s0 =	rddreg [dreg:$0x5]  }
0x6c: {  	[tilespmem:s24], [sflag:$0x4] =	stream.linear.gather [hbm4b:s0+s2], $0x3000, $0x38;
	[tilespmem:$0x1E000] =	vst v63  }
0x6d: {  	s21 =	simm.s32 $0xC000;
	s3 =	rddreg [dreg:$0x6]  }
0x6e: {  	[tilespmem:s21], [sflag:$0x5] =	stream.linear.gather [hbm4b:s3+s2], $0x3000, $0x38;
	[tilespmem:$0x1E000] =	vst v63  }
0x6f: {  	_ =	swait.ge [sflag:s31], $0x3000  }
0x70: {  	[sflag:s31] =	ssyncset.done $0x0  }
0x71: {  	[sflag:s31] =	ssyncadd.s32 $0xFFFFD000  }
0x72: {  	[hbm4b:s18+s2] =	stream.linear.scatter [tilespmem:s2], [sflag:$0x9], $0x3000, $0x38;
	[tilespmem:$0x1E000] =	vst v63  }
0x73: {  	s15 =	simm.s32 $0xF000;
	s3 =	rddreg [dreg:$0x7]  }
0x74: {  	[tilespmem:s15], [sflag:$0x6] =	stream.linear.gather [hbm4b:s3+s2], $0x3000, $0x38;
	[tilespmem:$0x1E000] =	vst v63  }
0x75: {  	_ =	swait.ge [sflag:s30], $0x3000  }
0x76: {  	[sflag:s30] =	ssyncset.done $0x0  }
0x77: {  	s28 =	simm.s32 $0x3000;
	s0 =	rddreg [dreg:$0x8];
	[sflag:s30] =	ssyncadd.s32 $0xFFFFD000  }
0x78: {  	[hbm4b:s0+s2] =	stream.linear.scatter [tilespmem:s28], [sflag:$0xA], $0x3000, $0x38;
	[tilespmem:$0x1E000] =	vst v63  }
0x79: {  	s11 =	simm.s32 $0x12000;
	s3 =	rddreg [dreg:$0x9]  }
0x7a: {  	[tilespmem:s11], [sflag:$0x7] =	stream.linear.gather [hbm4b:s3+s2], $0x3000, $0x38;
	[tilespmem:$0x1E000] =	vst v63  }
0x7b: {  	_ =	swait.ge [sflag:s29], $0x3000  }
0x7c: {  	[sflag:s29] =	ssyncset.done $0x0  }
0x7d: {  	s24 =	simm.s32 $0x6000;
	s0 =	rddreg [dreg:$0xa];
	[sflag:s29] =	ssyncadd.s32 $0xFFFFD000  }
0x7e: {  	[hbm4b:s0+s2] =	stream.linear.scatter [tilespmem:s24], [sflag:$0xB], $0x3000, $0x38;
	[tilespmem:$0x1E000] =	vst v63  }
0x7f: {  	s8 =	simm.s32 $0x15000;
	s3 =	rddreg [dreg:$0xb]  }
0x80: {  	[tilespmem:s8], [sflag:$0x8] =	stream.linear.gather [hbm4b:s3+s2], $0x3000, $0x38;
	[tilespmem:$0x1E000] =	vst v63  }
0x81: {  	_ =	swait.ge [sflag:s26], $0x3000  }
0x82: {  	[sflag:s26] =	ssyncset.done $0x0  }
0x83: {  	s21 =	simm.s32 $0x9000;
	s0 =	rddreg [dreg:$0xc];
	[sflag:s26] =	ssyncadd.s32 $0xFFFFD000  }
0x84: {  	[hbm4b:s0+s2] =	stream.linear.scatter [tilespmem:s21], [sflag:$0xC], $0x3000, $0x38;
	[tilespmem:$0x1E000] =	vst v63  }
0x85: {  	_ =	swait.ge [sflag:s25], $0x3000  }
0x86: {  	[sflag:s25] =	ssyncset.done $0x0  }
0x87: {  	[sflag:s25] =	ssyncadd.s32 $0xFFFFD000  }
0x88: {  	_ =	swait.ge [sflag:s23], $0x3000  }
0x89: {  	[sflag:s23] =	ssyncset.done $0x0  }
0x8a: {  	s15 =	simm.s32 $0xC000;
	s0 =	rddreg [dreg:$0xd];
	[sflag:s23] =	ssyncadd.s32 $0xFFFFD000  }
0x8b: {  	[hbm4b:s0+s2] =	stream.linear.scatter [tilespmem:s15], [sflag:$0xD], $0x3000, $0x38;
	[tilespmem:$0x1E000] =	vst v63  }
0x8c: {  	_ =	swait.ge [sflag:s22], $0x3000  }
0x8d: {  	[sflag:s22] =	ssyncset.done $0x0  }
0x8e: {  	[sflag:s22] =	ssyncadd.s32 $0xFFFFD000  }
0x8f: {  	_ =	swait.ge [sflag:s20], $0x3000  }
0x90: {  	[sflag:s20] =	ssyncset.done $0x0  }
0x91: {  	s11 =	simm.s32 $0xF000;
	[sflag:s20] =	ssyncadd.s32 $0xFFFFD000  }
0x92: {  	[hbm4b:s6+s2] =	stream.linear.scatter [tilespmem:s11], [sflag:$0xE], $0x3000, $0x38;
	[tilespmem:$0x1E000] =	vst v63  }
0x93: {  	_ =	swait.ge [sflag:s19], $0x3000  }
0x94: {  	[sflag:s19] =	ssyncset.done $0x0  }
0x95: {  	[sflag:s19] =	ssyncadd.s32 $0xFFFFD000  }
0x96: {  	_ =	swait.ge [sflag:s16], $0x3000  }
0x97: {  	s8 =	simm.s32 $0x12000;
	[sflag:s16] =	ssyncset.done $0x0  }
0x98: {  	s3 =	smov.u32 s4;
	s4 =	smov.u32 s5;
	[sflag:s16] =	ssyncadd.s32 $0xFFFFD000  }
0x99: {  	[hbm4b:s4+s2] =	stream.linear.scatter [tilespmem:s8], [sflag:$0xF], $0x3000, $0x38;
	[tilespmem:$0x1E000] =	vst v63  }
0x9a: {  	_ =	swait.ge [sflag:s17], $0x3000  }
0x9b: {  	[sflag:s17] =	ssyncset.done $0x0  }
0x9c: {  	[sflag:s17] =	ssyncadd.s32 $0xFFFFD000  }
0x9d: {  	_ =	swait.ge [sflag:s13], $0x3000  }
0x9e: {  	[sflag:s13] =	ssyncset.done $0x0  }
0x9f: {  	s5 =	simm.s32 $0x15000;
	[sflag:s13] =	ssyncadd.s32 $0xFFFFD000  }
0xa0: {  	[hbm4b:s3+s2] =	stream.linear.scatter [tilespmem:s5], [sflag:$0x10], $0x3000, $0x38;
	[tilespmem:$0x1E000] =	vst v63  }
0xa1: {  	_ =	swait.ge [sflag:s12], $0x3000  }
0xa2: {  	[sflag:s12] =	ssyncset.done $0x0  }
0xa3: {  	[sflag:s12] =	ssyncadd.s32 $0xFFFFD000  }
0xa4: {  	_ =	swait.ge [sflag:s10], $0x3000  }
0xa5: {  	[sflag:s10] =	ssyncset.done $0x0  }
0xa6: {  	p1 =	sne.s32 s1, $0x1;
	[sflag:s10] =	ssyncadd.s32 $0xFFFFD000  }
.Ltmp6:
0xa7: {  	_ =	swait.ge [sflag:s9], $0x3000;
	(pc) =	sbr.rel @p1 .LBB2_2-.Ltmp6, $4  }
0xa8: {  	[sflag:s9] =	ssyncset.done $0x0  }
0xa9: {  	s7 =	simm.s32 $0x10;
	[sflag:s9] =	ssyncadd.s32 $0xFFFFD000  }
0xaa: {  	_ =	swait.ge [sflag:s7], $0x3000  }
0xab: {  	s1 =	sadd.s32 $0xFFFFFFFF, s1;
	[sflag:s7] =	ssyncset.done $0x0  }
.LBB2_3:
0xac: {  	[sflag:s7] =	ssyncadd.s32 @p0 $0xFFFFD000  }
0xad: {  	[tilespmem:s2], [sflag:$0x1] =	stream.linear.gather [hbm4b:s14+s2], $0x3000, $0x38;
	[tilespmem:$0x1E000] =	vst v63  }
0xae: {  	s0 =	rddreg [dreg:$0x3]  }
0xaf: {  	[tilespmem:s28], [sflag:$0x2] =	stream.linear.gather [hbm4b:s0+s2], $0x3000, $0x38;
	[tilespmem:$0x1E000] =	vst v63  }
0xb0: {  	s1 =	rddreg [dreg:$0x4]  }
0xb1: {  	[tilespmem:s24], [sflag:$0x3] =	stream.linear.gather [hbm4b:s1+s2], $0x3000, $0x38;
	[tilespmem:$0x1E000] =	vst v63  }
0xb2: {  	s0 =	rddreg [dreg:$0x5]  }
0xb3: {  	[tilespmem:s21], [sflag:$0x4] =	stream.linear.gather [hbm4b:s0+s2], $0x3000, $0x38;
	[tilespmem:$0x1E000] =	vst v63  }
0xb4: {  	s14 =	rddreg [dreg:$0x6]  }
0xb5: {  	[tilespmem:s15], [sflag:$0x5] =	stream.linear.gather [hbm4b:s14+s2], $0x3000, $0x38;
	[tilespmem:$0x1E000] =	vst v63  }
0xb6: {  	_ =	swait.ge [sflag:s31], $0x3000  }
0xb7: {  	[sflag:s31] =	ssyncset.done $0x0  }
0xb8: {  	[sflag:s31] =	ssyncadd.s32 $0xFFFFD000  }
0xb9: {  	[hbm4b:s18+s2] =	stream.linear.scatter [tilespmem:s2], [sflag:$0x9], $0x3000, $0x38;
	[tilespmem:$0x1E000] =	vst v63  }
0xba: {  	s31 =	rddreg [dreg:$0x7]  }
0xbb: {  	[tilespmem:s11], [sflag:$0x6] =	stream.linear.gather [hbm4b:s31+s2], $0x3000, $0x38;
	[tilespmem:$0x1E000] =	vst v63  }
0xbc: {  	_ =	swait.ge [sflag:s30], $0x3000  }
0xbd: {  	[sflag:s30] =	ssyncset.done $0x0  }
0xbe: {  	s1 =	rddreg [dreg:$0x8];
	[sflag:s30] =	ssyncadd.s32 $0xFFFFD000  }
0xbf: {  	[hbm4b:s1+s2] =	stream.linear.scatter [tilespmem:s28], [sflag:$0xA], $0x3000, $0x38;
	[tilespmem:$0x1E000] =	vst v63  }
0xc0: {  	s14 =	rddreg [dreg:$0x9]  }
0xc1: {  	[tilespmem:s8], [sflag:$0x7] =	stream.linear.gather [hbm4b:s14+s2], $0x3000, $0x38;
	[tilespmem:$0x1E000] =	vst v63  }
0xc2: {  	_ =	swait.ge [sflag:s29], $0x3000  }
0xc3: {  	[sflag:s29] =	ssyncset.done $0x0  }
0xc4: {  	s18 =	rddreg [dreg:$0xa];
	[sflag:s29] =	ssyncadd.s32 $0xFFFFD000  }
0xc5: {  	[hbm4b:s18+s2] =	stream.linear.scatter [tilespmem:s24], [sflag:$0xB], $0x3000, $0x38;
	[tilespmem:$0x1E000] =	vst v63  }
0xc6: {  	s28 =	rddreg [dreg:$0xb]  }
0xc7: {  	[tilespmem:s5], [sflag:$0x8] =	stream.linear.gather [hbm4b:s28+s2], $0x3000, $0x38;
	[tilespmem:$0x1E000] =	vst v63  }
0xc8: {  	_ =	swait.ge [sflag:s26], $0x3000  }
0xc9: {  	[sflag:s26] =	ssyncset.done $0x0  }
0xca: {  	s29 =	rddreg [dreg:$0xc];
	[sflag:s26] =	ssyncadd.s32 $0xFFFFD000  }
0xcb: {  	[hbm4b:s29+s2] =	stream.linear.scatter [tilespmem:s21], [sflag:$0xC], $0x3000, $0x38;
	[tilespmem:$0x1E000] =	vst v63  }
0xcc: {  	_ =	swait.ge [sflag:s25], $0x3000  }
0xcd: {  	[sflag:s25] =	ssyncset.done $0x0  }
0xce: {  	[sflag:s25] =	ssyncadd.s32 $0xFFFFD000  }
0xcf: {  	_ =	swait.ge [sflag:s23], $0x3000  }
0xd0: {  	[sflag:s23] =	ssyncset.done $0x0  }
0xd1: {  	s30 =	rddreg [dreg:$0xd];
	[sflag:s23] =	ssyncadd.s32 $0xFFFFD000  }
0xd2: {  	[hbm4b:s30+s2] =	stream.linear.scatter [tilespmem:s15], [sflag:$0xD], $0x3000, $0x38;
	[tilespmem:$0x1E000] =	vst v63  }
0xd3: {  	_ =	swait.ge [sflag:s22], $0x3000  }
0xd4: {  	[sflag:s22] =	ssyncset.done $0x0  }
0xd5: {  	[sflag:s22] =	ssyncadd.s32 $0xFFFFD000  }
0xd6: {  	_ =	swait.ge [sflag:s20], $0x3000  }
0xd7: {  	[sflag:s20] =	ssyncset.done $0x0  }
0xd8: {  	[sflag:s20] =	ssyncadd.s32 $0xFFFFD000  }
0xd9: {  	[hbm4b:s6+s2] =	stream.linear.scatter [tilespmem:s11], [sflag:$0xE], $0x3000, $0x38;
	[tilespmem:$0x1E000] =	vst v63  }
0xda: {  	_ =	swait.ge [sflag:s19], $0x3000  }
0xdb: {  	[sflag:s19] =	ssyncset.done $0x0  }
0xdc: {  	[sflag:s19] =	ssyncadd.s32 $0xFFFFD000  }
0xdd: {  	_ =	swait.ge [sflag:s16], $0x3000  }
0xde: {  	[sflag:s16] =	ssyncset.done $0x0  }
0xdf: {  	[sflag:s16] =	ssyncadd.s32 $0xFFFFD000  }
0xe0: {  	[hbm4b:s4+s2] =	stream.linear.scatter [tilespmem:s8], [sflag:$0xF], $0x3000, $0x38;
	[tilespmem:$0x1E000] =	vst v63  }
0xe1: {  	_ =	swait.ge [sflag:s17], $0x3000  }
0xe2: {  	[sflag:s17] =	ssyncset.done $0x0  }
0xe3: {  	[sflag:s17] =	ssyncadd.s32 $0xFFFFD000  }
0xe4: {  	_ =	swait.ge [sflag:s13], $0x3000  }
0xe5: {  	[sflag:s13] =	ssyncset.done $0x0  }
0xe6: {  	[sflag:s13] =	ssyncadd.s32 $0xFFFFD000  }
0xe7: {  	[hbm4b:s3+s2] =	stream.linear.scatter [tilespmem:s5], [sflag:$0x10], $0x3000, $0x38;
	[tilespmem:$0x1E000] =	vst v63  }
0xe8: {  	_ =	swait.ge [sflag:s12], $0x3000  }
0xe9: {  	[sflag:s12] =	ssyncset.done $0x0  }
0xea: {  	[sflag:s12] =	ssyncadd.s32 $0xFFFFD000  }
0xeb: {  	_ =	swait.ge [sflag:s10], $0x3000  }
0xec: {  	[sflag:s10] =	ssyncset.done $0x0  }
0xed: {  	[sflag:s10] =	ssyncadd.s32 $0xFFFFD000  }
0xee: {  	_ =	swait.ge [sflag:s9], $0x3000  }
0xef: {  	[sflag:s9] =	ssyncset.done $0x0  }
0xf0: {  	[sflag:s9] =	ssyncadd.s32 $0xFFFFD000  }
0xf1: {  	_ =	swait.ge [sflag:s7], $0x3000  }
0xf2: {  	[sflag:s7] =	ssyncset.done $0x0  }
0xf3: {  	[sflag:s7] =	ssyncadd.s32 $0xFFFFD000  }
0xf4: {  	_ =	sfence.sel $0x180000  }
0xf5: {  	[bflag:$0x0] =	sbarrier.arrive $0xFFFF  }
0xf6: {  	_ =	strace $0x90000047  }
0xf7: {  	s31 =	stileid.u32;
	[bflag:$0x2] =	sbarrier.arrive $0xFFFF  }
0xf8: {  	p0 =	sne.s32 s31, $0x0;
	s0 =	rddreg [dreg:$0x2]  }
0xf9: {  	s0 =	sadd.s32 @!p0 $0x100000, s0  }
0xfa: {  	[sflag:s0] =	ssyncadd.tile.s32 @!p0 $0x1;
	_ =	shalt  }
.Lfunc_end2:
_tile_overlayer_lowered:
.L_overlay_start_2:
0xfb: {  	(tag) =	ssettag $0x2  }
0xfc: {  	s0 =	rddreg [dreg:$0x0];
	s2 =	stileid.u32  }
0xfd: {  	s1 =	rddreg [dreg:$0x1];
	p0 =	sne.s32 s2, $0x0  }
0xfe: {  	s3 =	rddreg [dreg:$0x2];
	[bflag:$0x3] =	sbarrier.arrive $0xFFFF;
	s2 =	simm.s32 @!p0 $0x1C11  }
0xff: {  	[timem:s3], [sflag:s2] =	dma.local @!p0 [hbm:s0], s1  }
0x100: {  	s0 =	simm.s32 @!p0 $0x11  }
0x101: {  	_ =	swait.ge @!p0 [sflag:s0], s1  }
0x102: {  	s1 =	ssub.s32 @!p0 $0x0, s1;
	[sflag:s0] =	ssyncset.done @!p0 $0x0  }
0x103: {  	[sflag:s0] =	ssyncadd.s32 @!p0 s1  }
0x104: {  	[bflag:$0x3] =	sbarrier.arrive $0xFFFF  }
0x105: {  	_ =	shalt  }

</sc_bundles>
